<compile_context>
chip_gen: v7x
topology: tpu7x:2x2x1
jax: 0.10.2.dev20260603
libtpu: 0.0.44.dev20260713+nightly
codegen_flags: <defaults>
</compile_context>

<pallas_src>
import functools

import jax
import jax.numpy as jnp
from jax import lax
from jax.experimental import pallas as pl
from jax.experimental.pallas import tpu as pltpu
from jax.experimental.pallas import tpu_sc as plsc

N_USER = 6000
N_ITEM = 4000
N = N_USER + N_ITEM
D = 128
E = 320000
NC = 2
NS = 16
NW = NC * NS
EPW = E // NW
CH = 80
NCHUNK = EPW // CH
NPAD = 10240
RPS = NPAD // NS

_mesh = plsc.VectorSubcoreMesh(core_axis_name="c", subcore_axis_name="s")


@functools.partial(
    pl.kernel,
    mesh=_mesh,
    compiler_params=pltpu.CompilerParams(needs_layout_passes=False),
    out_type=(
        jax.ShapeDtypeStruct((NC, NPAD, D), jnp.float32),
        jax.ShapeDtypeStruct((NW, NPAD), jnp.float32),
    ),
    scratch_types=[
        pltpu.VMEM((4, 2, CH), jnp.int32),
        pltpu.VMEM((2, CH, D), jnp.float32),
        pltpu.VMEM((NPAD,), jnp.float32),
        pltpu.VMEM_SHARED((NPAD, D), jnp.float32),
        pltpu.SemaphoreType.DMA,
        pltpu.SemaphoreType.DMA,
        pltpu.SemaphoreType.DMA,
        pltpu.SemaphoreType.DMA,
        pltpu.SemaphoreType.DMA,
        pltpu.SemaphoreType.DMA,
    ],
)
def _sc_segment_sum(adj_hbm, table_hbm, zeros_hbm, zerosd_hbm,
                    out_hbm, outdeg_hbm,
                    idx_v, rows_v, deg_v, acc_sh,
                    gsem0, gsem1, isem0, isem1, isem2, isem3):
    c = lax.axis_index("c")
    s = lax.axis_index("s")
    wid = c * NS + s

    ones16 = jnp.full((16,), 1.0, jnp.float32)
    gsems = (gsem0, gsem1)
    isems = (isem0, isem1, isem2, isem3)

    def fire_idx(j, m):
        pltpu.async_copy(adj_hbm.at[0, wid, j], idx_v.at[m, 0], isems[m])
        pltpu.async_copy(adj_hbm.at[1, wid, j], idx_v.at[m, 1], isems[m])

    def fire_gather(j, m, r):
        pltpu.make_async_copy(adj_hbm.at[0, wid, j], idx_v.at[m, 0], isems[m]).wait()
        pltpu.make_async_copy(adj_hbm.at[1, wid, j], idx_v.at[m, 1], isems[m]).wait()
        pltpu.async_copy(table_hbm.at[idx_v.at[m, 0]], rows_v.at[r], gsems[r])
        for k in range(CH // 16):
            idx16 = idx_v[m, 1, pl.ds(k * 16, 16)]
            plsc.addupdate_scatter(deg_v, [idx16], ones16)

    def finish(j, m, r):
        pltpu.make_async_copy(
            table_hbm.at[idx_v.at[m, 0]], rows_v.at[r], gsems[r]).wait()
        pltpu.sync_copy(rows_v.at[r], acc_sh.at[idx_v.at[m, 1]], add=True)

        @pl.when(j + 4 < NCHUNK)
        def _():
            fire_idx(j + 4, m)

    for m in range(4):
        fire_idx(m, m)
    pltpu.sync_copy(zeros_hbm, acc_sh.at[pl.ds(s * RPS, RPS)])
    pltpu.sync_copy(zerosd_hbm, deg_v)
    plsc.subcore_barrier()
    fire_gather(0, 0, 0)

    def body(k, carry):
        base = 4 * k
        fire_gather(base + 1, 1, 1)
        finish(base, 0, 0)
        fire_gather(base + 2, 2, 0)
        finish(base + 1, 1, 1)
        fire_gather(base + 3, 3, 1)
        finish(base + 2, 2, 0)
        fire_gather(base + 4, 0, 0)
        finish(base + 3, 3, 1)
        return carry

    lax.fori_loop(0, NCHUNK // 4, body, 0)
    finish(NCHUNK - 1, 0, 0)
    pltpu.sync_copy(deg_v, outdeg_hbm.at[wid])
    plsc.subcore_barrier()
    pltpu.sync_copy(acc_sh.at[pl.ds(s * RPS, RPS)],
                    out_hbm.at[c, pl.ds(s * RPS, RPS)])


def _tc_epilogue(xu_ref, xi_ref, parts_ref, degp_ref, w_ref, t_ref,
                 outu_ref, outi_ref):
    xu = xu_ref[...]
    xi = xi_ref[...]
    nrm2 = jnp.maximum(jnp.max(jnp.sum(xu * xu, axis=1)),
                       jnp.max(jnp.sum(xi * xi, axis=1)))
    inv_nrm = lax.rsqrt(nrm2)
    agg = parts_ref[0] + parts_ref[1]
    deg = jnp.sum(jnp.transpose(degp_ref[...]), axis=1, keepdims=True)
    scale = lax.rsqrt(deg + 1.0) * inv_nrm
    aggn = agg * scale
    w = w_ref[...]
    t = t_ref[0, 0]
    zu = jnp.tanh(jnp.dot(aggn[:N_USER], w,
                          preferred_element_type=jnp.float32))
    outu_ref[...] = xu * inv_nrm + t * zu
    zi = jnp.tanh(jnp.dot(aggn[N_USER:N], w,
                          preferred_element_type=jnp.float32))
    outi_ref[...] = xi * inv_nrm + t * zi


def kernel(adj_his, t_diff, xu_t_plus, xi_t_plus, xu_embed, xi_embed, W):
    table = jnp.concatenate([xu_embed, xi_embed], axis=0)
    adj32 = adj_his.astype(jnp.int32)
    adj = adj32.reshape(2, NW, NCHUNK, CH)
    zeros = jnp.zeros((RPS, D), jnp.float32)
    zerosd = jnp.zeros((NPAD,), jnp.float32)

    parts, deg_parts = _sc_segment_sum(adj, table, zeros, zerosd)

    return pl.pallas_call(
        _tc_epilogue,
        out_shape=(
            jax.ShapeDtypeStruct((N_USER, D), jnp.float32),
            jax.ShapeDtypeStruct((N_ITEM, D), jnp.float32),
        ),
        in_specs=[
            pl.BlockSpec(memory_space=pltpu.VMEM),
            pl.BlockSpec(memory_space=pltpu.VMEM),
            pl.BlockSpec(memory_space=pltpu.VMEM),
            pl.BlockSpec(memory_space=pltpu.VMEM),
            pl.BlockSpec(memory_space=pltpu.VMEM),
            pl.BlockSpec(memory_space=pltpu.SMEM),
        ],
        out_specs=(
            pl.BlockSpec(memory_space=pltpu.VMEM),
            pl.BlockSpec(memory_space=pltpu.VMEM),
        ),
    )(xu_t_plus, xi_t_plus, parts, deg_parts, W, t_diff.reshape(1, 1))

# --- scband reference (transcript-rebuilt; emitter-appended) ---
"""Pipeline reference for scband-evolution-module-12876311953660 (READ-ONLY COPY).

The authoritative reference and input builder live on the scoring server;
editing this copy changes nothing except your own understanding.
"""

import jax, jax.numpy as jnp
import numpy as np

N_USER = 6000
N_ITEM = 4000
N = N_USER + N_ITEM
D = 128
E = 320000


def setup_inputs(seed: int = 0) -> dict:
    key = jax.random.key(seed)
    ks = jax.random.split(key, 7)
    adj_his = jax.random.randint(ks[0], (2, E), 0, N, dtype=jnp.int64)
    t_diff = jax.random.uniform(ks[1], (1,), dtype=jnp.float32)
    xu_t_plus = jax.random.normal(ks[2], (N_USER, D), dtype=jnp.float32)
    xi_t_plus = jax.random.normal(ks[3], (N_ITEM, D), dtype=jnp.float32)
    xu_embed = jax.random.normal(ks[4], (N_USER, D), dtype=jnp.float32)
    xi_embed = jax.random.normal(ks[5], (N_ITEM, D), dtype=jnp.float32)
    # CGNN learned weight (propagation transform)
    W = jax.random.normal(ks[6], (D, D), dtype=jnp.float32) * 0.05
    return {
        "adj_his": adj_his,
        "t_diff": t_diff,
        "xu_t_plus": xu_t_plus,
        "xi_t_plus": xi_t_plus,
        "xu_embed": xu_embed,
        "xi_embed": xi_embed,
        "W": W,
    }


def _cgnn(x_embed, x_t_plus, t_diff, adj_his, W):
    # Continuous GNN step: degree-normalized neighbor aggregation of x_embed,
    # transformed and scaled by elapsed time t_diff, added to the state x_t_plus.
    src = adj_his[0]
    dst = adj_his[1]
    deg = jnp.zeros((N,), dtype=jnp.float32).at[dst].add(1.0)
    inv_norm = 1.0 / jnp.sqrt(deg + 1.0)
    msg = jnp.take(x_embed, src, axis=0)                      # gather [E, D]
    agg = jax.ops.segment_sum(msg, dst, num_segments=N)       # scatter-add [N, D]
    agg = agg * inv_norm[:, None]
    x_gnn = x_t_plus + t_diff[0] * jnp.tanh(agg @ W)
    return x_gnn


def reference(adj_his, t_diff, xu_t_plus, xi_t_plus, xu_embed, xi_embed, W):
    x_t_plus = jnp.concatenate([xu_t_plus, xi_t_plus], axis=0)
    x_embed = jnp.concatenate([xu_embed, xi_embed], axis=0)
    norm_ = jnp.linalg.norm(x_t_plus, axis=1).max()
    x_t_plus = x_t_plus / norm_
    x_embed = x_embed / norm_
    x_gnn = _cgnn(x_embed, x_t_plus, t_diff, adj_his, W)
    xu_t_minus = x_gnn[:N_USER]
    xi_t_minus = x_gnn[N_USER:]
    return (xu_t_minus, xi_t_minus)

if __name__ == "__main__":
    import jax
    _d = setup_inputs()
    print(jax.jit(kernel)(*tuple(_d.values())))

</pallas_src>

<mosaic_0001>
#map = affine_map<(d0, d1) -> (0, 0, 0, 0)>
#map1 = affine_map<(d0, d1) -> (0, 0)>
#map2 = affine_map<(d0, d1) -> (0)>
#map3 = affine_map<(d0, d1) -> (0, 0, 0)>
module attributes {stable_mosaic.version = 14 : i64} {
  func.func @_sc_segment_sum(%arg0: i32, %arg1: i32, %arg2: memref<2x32x125x80xi32, #tpu.memory_space<hbm>>, %arg3: memref<10000x128xf32, #tpu.memory_space<hbm>>, %arg4: memref<640x128xf32, #tpu.memory_space<hbm>>, %arg5: memref<10240xf32, #tpu.memory_space<hbm>>, %arg6: memref<2x10240x128xf32, #tpu.memory_space<hbm>>, %arg7: memref<32x10240xf32, #tpu.memory_space<hbm>>, %arg8: memref<4x2x80xi32, #tpu.memory_space<vmem>>, %arg9: memref<2x80x128xf32, #tpu.memory_space<vmem>>, %arg10: memref<10240xf32, #tpu.memory_space<vmem>>, %arg11: memref<10240x128xf32, #tpu.memory_space<vmem_shared>>, %arg12: memref<!tpu.dma_semaphore, #tpu.memory_space<semaphore_mem>>, %arg13: memref<!tpu.dma_semaphore, #tpu.memory_space<semaphore_mem>>, %arg14: memref<!tpu.dma_semaphore, #tpu.memory_space<semaphore_mem>>, %arg15: memref<!tpu.dma_semaphore, #tpu.memory_space<semaphore_mem>>, %arg16: memref<!tpu.dma_semaphore, #tpu.memory_space<semaphore_mem>>, %arg17: memref<!tpu.dma_semaphore, #tpu.memory_space<semaphore_mem>>) attributes {dimension_semantics = [#tpu.dimension_semantics<core_parallel>, #tpu.dimension_semantics<subcore_parallel>], iteration_bounds = array<i64: 2, 16>, scalar_prefetch = 0 : i64, scratch_operands = 10 : i64, tpu.core_type = #tpu.core_type<sc_vector_subcore>, window_params = [{transform_indices = #map}, {transform_indices = #map1}, {transform_indices = #map1}, {transform_indices = #map2}, {transform_indices = #map3}, {transform_indices = #map1}]} {
    %mul3A = arith.constant 16 : i32
    %mul3A_0 = arith.muli %arg0, %mul3A : i32
    %add3A = arith.addi %mul3A_0, %arg1 : i32
    %broadcast_in_dim3A = arith.constant 1.000000e+00 : f32
    %broadcast_in_dim3A_1 = vector.broadcast %broadcast_in_dim3A : f32 to vector<16xf32>
    %dma_start3A = arith.constant 0 : i32
    %dma_start3A_2 = arith.constant 0 : i32
    %dma_start3A_3 = arith.constant 0 : i32
    %dma_start3A_4 = arith.constant 0 : i32
    %dma_start3A_5 = arith.constant 0 : i32
    %dma_start3A_6 = tpu.memref_slice %arg8[%dma_start3A_3, %dma_start3A_4, %dma_start3A_5] : memref<4x2x80xi32, #tpu.memory_space<vmem>> -> memref<1x1x80xi32, #tpu.memory_space<vmem>>
    %dma_start3A_7 = tpu.memref_squeeze %dma_start3A_6 : memref<1x1x80xi32, #tpu.memory_space<vmem>> -> memref<80xi32, #tpu.memory_space<vmem>>
    %dma_start3A_8 = arith.constant 0 : i32
    %dma_start3A_9 = tpu.memref_slice %arg2[%dma_start3A, %add3A, %dma_start3A_2, %dma_start3A_8] : memref<2x32x125x80xi32, #tpu.memory_space<hbm>> -> memref<1x1x1x80xi32, #tpu.memory_space<hbm>>
    %dma_start3A_10 = tpu.memref_squeeze %dma_start3A_9 : memref<1x1x1x80xi32, #tpu.memory_space<hbm>> -> memref<80xi32, #tpu.memory_space<hbm>>
    %dma_start3A_11 = arith.constant 0 : i32
    %dma_start3A_12 = tpu.memref_slice %arg8[%dma_start3A_3, %dma_start3A_4, %dma_start3A_11] : memref<4x2x80xi32, #tpu.memory_space<vmem>> -> memref<1x1x80xi32, #tpu.memory_space<vmem>>
    %dma_start3A_13 = tpu.memref_squeeze %dma_start3A_12 : memref<1x1x80xi32, #tpu.memory_space<vmem>> -> memref<80xi32, #tpu.memory_space<vmem>>
    %dma_start3A_14 = arith.constant 0 : i32
    %dma_start3A_15 = tpu.memref_slice %arg2[%dma_start3A, %add3A, %dma_start3A_2, %dma_start3A_14] : memref<2x32x125x80xi32, #tpu.memory_space<hbm>> -> memref<1x1x1x80xi32, #tpu.memory_space<hbm>>
    %dma_start3A_16 = tpu.memref_squeeze %dma_start3A_15 : memref<1x1x1x80xi32, #tpu.memory_space<hbm>> -> memref<80xi32, #tpu.memory_space<hbm>>
    tpu.enqueue_dma source(%dma_start3A_16 : memref<80xi32, #tpu.memory_space<hbm>>) target(%dma_start3A_13 : memref<80xi32, #tpu.memory_space<vmem>>) target_semaphore(%arg14 : memref<!tpu.dma_semaphore, #tpu.memory_space<semaphore_mem>>)
    %dma_start3A_17 = arith.constant 1 : i32
    %dma_start3A_18 = arith.constant 0 : i32
    %dma_start3A_19 = arith.constant 0 : i32
    %dma_start3A_20 = arith.constant 1 : i32
    %dma_start3A_21 = arith.constant 0 : i32
    %dma_start3A_22 = tpu.memref_slice %arg8[%dma_start3A_19, %dma_start3A_20, %dma_start3A_21] : memref<4x2x80xi32, #tpu.memory_space<vmem>> -> memref<1x1x80xi32, #tpu.memory_space<vmem>>
    %dma_start3A_23 = tpu.memref_squeeze %dma_start3A_22 : memref<1x1x80xi32, #tpu.memory_space<vmem>> -> memref<80xi32, #tpu.memory_space<vmem>>
    %dma_start3A_24 = arith.constant 0 : i32
    %dma_start3A_25 = tpu.memref_slice %arg2[%dma_start3A_17, %add3A, %dma_start3A_18, %dma_start3A_24] : memref<2x32x125x80xi32, #tpu.memory_space<hbm>> -> memref<1x1x1x80xi32, #tpu.memory_space<hbm>>
    %dma_start3A_26 = tpu.memref_squeeze %dma_start3A_25 : memref<1x1x1x80xi32, #tpu.memory_space<hbm>> -> memref<80xi32, #tpu.memory_space<hbm>>
    %dma_start3A_27 = arith.constant 0 : i32
    %dma_start3A_28 = tpu.memref_slice %arg8[%dma_start3A_19, %dma_start3A_20, %dma_start3A_27] : memref<4x2x80xi32, #tpu.memory_space<vmem>> -> memref<1x1x80xi32, #tpu.memory_space<vmem>>
    %dma_start3A_29 = tpu.memref_squeeze %dma_start3A_28 : memref<1x1x80xi32, #tpu.memory_space<vmem>> -> memref<80xi32, #tpu.memory_space<vmem>>
    %dma_start3A_30 = arith.constant 0 : i32
    %dma_start3A_31 = tpu.memref_slice %arg2[%dma_start3A_17, %add3A, %dma_start3A_18, %dma_start3A_30] : memref<2x32x125x80xi32, #tpu.memory_space<hbm>> -> memref<1x1x1x80xi32, #tpu.memory_space<hbm>>
    %dma_start3A_32 = tpu.memref_squeeze %dma_start3A_31 : memref<1x1x1x80xi32, #tpu.memory_space<hbm>> -> memref<80xi32, #tpu.memory_space<hbm>>
    tpu.enqueue_dma source(%dma_start3A_32 : memref<80xi32, #tpu.memory_space<hbm>>) target(%dma_start3A_29 : memref<80xi32, #tpu.memory_space<vmem>>) target_semaphore(%arg14 : memref<!tpu.dma_semaphore, #tpu.memory_space<semaphore_mem>>)
    %dma_start3A_33 = arith.constant 0 : i32
    %dma_start3A_34 = arith.constant 1 : i32
    %dma_start3A_35 = arith.constant 1 : i32
    %dma_start3A_36 = arith.constant 0 : i32
    %dma_start3A_37 = arith.constant 0 : i32
    %dma_start3A_38 = tpu.memref_slice %arg8[%dma_start3A_35, %dma_start3A_36, %dma_start3A_37] : memref<4x2x80xi32, #tpu.memory_space<vmem>> -> memref<1x1x80xi32, #tpu.memory_space<vmem>>
    %dma_start3A_39 = tpu.memref_squeeze %dma_start3A_38 : memref<1x1x80xi32, #tpu.memory_space<vmem>> -> memref<80xi32, #tpu.memory_space<vmem>>
    %dma_start3A_40 = arith.constant 0 : i32
    %dma_start3A_41 = tpu.memref_slice %arg2[%dma_start3A_33, %add3A, %dma_start3A_34, %dma_start3A_40] : memref<2x32x125x80xi32, #tpu.memory_space<hbm>> -> memref<1x1x1x80xi32, #tpu.memory_space<hbm>>
    %dma_start3A_42 = tpu.memref_squeeze %dma_start3A_41 : memref<1x1x1x80xi32, #tpu.memory_space<hbm>> -> memref<80xi32, #tpu.memory_space<hbm>>
    %dma_start3A_43 = arith.constant 0 : i32
    %dma_start3A_44 = tpu.memref_slice %arg8[%dma_start3A_35, %dma_start3A_36, %dma_start3A_43] : memref<4x2x80xi32, #tpu.memory_space<vmem>> -> memref<1x1x80xi32, #tpu.memory_space<vmem>>
    %dma_start3A_45 = tpu.memref_squeeze %dma_start3A_44 : memref<1x1x80xi32, #tpu.memory_space<vmem>> -> memref<80xi32, #tpu.memory_space<vmem>>
    %dma_start3A_46 = arith.constant 0 : i32
    %dma_start3A_47 = tpu.memref_slice %arg2[%dma_start3A_33, %add3A, %dma_start3A_34, %dma_start3A_46] : memref<2x32x125x80xi32, #tpu.memory_space<hbm>> -> memref<1x1x1x80xi32, #tpu.memory_space<hbm>>
    %dma_start3A_48 = tpu.memref_squeeze %dma_start3A_47 : memref<1x1x1x80xi32, #tpu.memory_space<hbm>> -> memref<80xi32, #tpu.memory_space<hbm>>
    tpu.enqueue_dma source(%dma_start3A_48 : memref<80xi32, #tpu.memory_space<hbm>>) target(%dma_start3A_45 : memref<80xi32, #tpu.memory_space<vmem>>) target_semaphore(%arg15 : memref<!tpu.dma_semaphore, #tpu.memory_space<semaphore_mem>>)
    %dma_start3A_49 = arith.constant 1 : i32
    %dma_start3A_50 = arith.constant 1 : i32
    %dma_start3A_51 = arith.constant 1 : i32
    %dma_start3A_52 = arith.constant 1 : i32
    %dma_start3A_53 = arith.constant 0 : i32
    %dma_start3A_54 = tpu.memref_slice %arg8[%dma_start3A_51, %dma_start3A_52, %dma_start3A_53] : memref<4x2x80xi32, #tpu.memory_space<vmem>> -> memref<1x1x80xi32, #tpu.memory_space<vmem>>
    %dma_start3A_55 = tpu.memref_squeeze %dma_start3A_54 : memref<1x1x80xi32, #tpu.memory_space<vmem>> -> memref<80xi32, #tpu.memory_space<vmem>>
    %dma_start3A_56 = arith.constant 0 : i32
    %dma_start3A_57 = tpu.memref_slice %arg2[%dma_start3A_49, %add3A, %dma_start3A_50, %dma_start3A_56] : memref<2x32x125x80xi32, #tpu.memory_space<hbm>> -> memref<1x1x1x80xi32, #tpu.memory_space<hbm>>
    %dma_start3A_58 = tpu.memref_squeeze %dma_start3A_57 : memref<1x1x1x80xi32, #tpu.memory_space<hbm>> -> memref<80xi32, #tpu.memory_space<hbm>>
    %dma_start3A_59 = arith.constant 0 : i32
    %dma_start3A_60 = tpu.memref_slice %arg8[%dma_start3A_51, %dma_start3A_52, %dma_start3A_59] : memref<4x2x80xi32, #tpu.memory_space<vmem>> -> memref<1x1x80xi32, #tpu.memory_space<vmem>>
    %dma_start3A_61 = tpu.memref_squeeze %dma_start3A_60 : memref<1x1x80xi32, #tpu.memory_space<vmem>> -> memref<80xi32, #tpu.memory_space<vmem>>
    %dma_start3A_62 = arith.constant 0 : i32
    %dma_start3A_63 = tpu.memref_slice %arg2[%dma_start3A_49, %add3A, %dma_start3A_50, %dma_start3A_62] : memref<2x32x125x80xi32, #tpu.memory_space<hbm>> -> memref<1x1x1x80xi32, #tpu.memory_space<hbm>>
    %dma_start3A_64 = tpu.memref_squeeze %dma_start3A_63 : memref<1x1x1x80xi32, #tpu.memory_space<hbm>> -> memref<80xi32, #tpu.memory_space<hbm>>
    tpu.enqueue_dma source(%dma_start3A_64 : memref<80xi32, #tpu.memory_space<hbm>>) target(%dma_start3A_61 : memref<80xi32, #tpu.memory_space<vmem>>) target_semaphore(%arg15 : memref<!tpu.dma_semaphore, #tpu.memory_space<semaphore_mem>>)
    %dma_start3A_65 = arith.constant 0 : i32
    %dma_start3A_66 = arith.constant 2 : i32
    %dma_start3A_67 = arith.constant 2 : i32
    %dma_start3A_68 = arith.constant 0 : i32
    %dma_start3A_69 = arith.constant 0 : i32
    %dma_start3A_70 = tpu.memref_slice %arg8[%dma_start3A_67, %dma_start3A_68, %dma_start3A_69] : memref<4x2x80xi32, #tpu.memory_space<vmem>> -> memref<1x1x80xi32, #tpu.memory_space<vmem>>
    %dma_start3A_71 = tpu.memref_squeeze %dma_start3A_70 : memref<1x1x80xi32, #tpu.memory_space<vmem>> -> memref<80xi32, #tpu.memory_space<vmem>>
    %dma_start3A_72 = arith.constant 0 : i32
    %dma_start3A_73 = tpu.memref_slice %arg2[%dma_start3A_65, %add3A, %dma_start3A_66, %dma_start3A_72] : memref<2x32x125x80xi32, #tpu.memory_space<hbm>> -> memref<1x1x1x80xi32, #tpu.memory_space<hbm>>
    %dma_start3A_74 = tpu.memref_squeeze %dma_start3A_73 : memref<1x1x1x80xi32, #tpu.memory_space<hbm>> -> memref<80xi32, #tpu.memory_space<hbm>>
    %dma_start3A_75 = arith.constant 0 : i32
    %dma_start3A_76 = tpu.memref_slice %arg8[%dma_start3A_67, %dma_start3A_68, %dma_start3A_75] : memref<4x2x80xi32, #tpu.memory_space<vmem>> -> memref<1x1x80xi32, #tpu.memory_space<vmem>>
    %dma_start3A_77 = tpu.memref_squeeze %dma_start3A_76 : memref<1x1x80xi32, #tpu.memory_space<vmem>> -> memref<80xi32, #tpu.memory_space<vmem>>
    %dma_start3A_78 = arith.constant 0 : i32
    %dma_start3A_79 = tpu.memref_slice %arg2[%dma_start3A_65, %add3A, %dma_start3A_66, %dma_start3A_78] : memref<2x32x125x80xi32, #tpu.memory_space<hbm>> -> memref<1x1x1x80xi32, #tpu.memory_space<hbm>>
    %dma_start3A_80 = tpu.memref_squeeze %dma_start3A_79 : memref<1x1x1x80xi32, #tpu.memory_space<hbm>> -> memref<80xi32, #tpu.memory_space<hbm>>
    tpu.enqueue_dma source(%dma_start3A_80 : memref<80xi32, #tpu.memory_space<hbm>>) target(%dma_start3A_77 : memref<80xi32, #tpu.memory_space<vmem>>) target_semaphore(%arg16 : memref<!tpu.dma_semaphore, #tpu.memory_space<semaphore_mem>>)
    %dma_start3A_81 = arith.constant 1 : i32
    %dma_start3A_82 = arith.constant 2 : i32
    %dma_start3A_83 = arith.constant 2 : i32
    %dma_start3A_84 = arith.constant 1 : i32
    %dma_start3A_85 = arith.constant 0 : i32
    %dma_start3A_86 = tpu.memref_slice %arg8[%dma_start3A_83, %dma_start3A_84, %dma_start3A_85] : memref<4x2x80xi32, #tpu.memory_space<vmem>> -> memref<1x1x80xi32, #tpu.memory_space<vmem>>
    %dma_start3A_87 = tpu.memref_squeeze %dma_start3A_86 : memref<1x1x80xi32, #tpu.memory_space<vmem>> -> memref<80xi32, #tpu.memory_space<vmem>>
    %dma_start3A_88 = arith.constant 0 : i32
    %dma_start3A_89 = tpu.memref_slice %arg2[%dma_start3A_81, %add3A, %dma_start3A_82, %dma_start3A_88] : memref<2x32x125x80xi32, #tpu.memory_space<hbm>> -> memref<1x1x1x80xi32, #tpu.memory_space<hbm>>
    %dma_start3A_90 = tpu.memref_squeeze %dma_start3A_89 : memref<1x1x1x80xi32, #tpu.memory_space<hbm>> -> memref<80xi32, #tpu.memory_space<hbm>>
    %dma_start3A_91 = arith.constant 0 : i32
    %dma_start3A_92 = tpu.memref_slice %arg8[%dma_start3A_83, %dma_start3A_84, %dma_start3A_91] : memref<4x2x80xi32, #tpu.memory_space<vmem>> -> memref<1x1x80xi32, #tpu.memory_space<vmem>>
    %dma_start3A_93 = tpu.memref_squeeze %dma_start3A_92 : memref<1x1x80xi32, #tpu.memory_space<vmem>> -> memref<80xi32, #tpu.memory_space<vmem>>
    %dma_start3A_94 = arith.constant 0 : i32
    %dma_start3A_95 = tpu.memref_slice %arg2[%dma_start3A_81, %add3A, %dma_start3A_82, %dma_start3A_94] : memref<2x32x125x80xi32, #tpu.memory_space<hbm>> -> memref<1x1x1x80xi32, #tpu.memory_space<hbm>>
    %dma_start3A_96 = tpu.memref_squeeze %dma_start3A_95 : memref<1x1x1x80xi32, #tpu.memory_space<hbm>> -> memref<80xi32, #tpu.memory_space<hbm>>
    tpu.enqueue_dma source(%dma_start3A_96 : memref<80xi32, #tpu.memory_space<hbm>>) target(%dma_start3A_93 : memref<80xi32, #tpu.memory_space<vmem>>) target_semaphore(%arg16 : memref<!tpu.dma_semaphore, #tpu.memory_space<semaphore_mem>>)
    %dma_start3A_97 = arith.constant 0 : i32
    %dma_start3A_98 = arith.constant 3 : i32
    %dma_start3A_99 = arith.constant 3 : i32
    %dma_start3A_100 = arith.constant 0 : i32
    %dma_start3A_101 = arith.constant 0 : i32
    %dma_start3A_102 = tpu.memref_slice %arg8[%dma_start3A_99, %dma_start3A_100, %dma_start3A_101] : memref<4x2x80xi32, #tpu.memory_space<vmem>> -> memref<1x1x80xi32, #tpu.memory_space<vmem>>
    %dma_start3A_103 = tpu.memref_squeeze %dma_start3A_102 : memref<1x1x80xi32, #tpu.memory_space<vmem>> -> memref<80xi32, #tpu.memory_space<vmem>>
    %dma_start3A_104 = arith.constant 0 : i32
    %dma_start3A_105 = tpu.memref_slice %arg2[%dma_start3A_97, %add3A, %dma_start3A_98, %dma_start3A_104] : memref<2x32x125x80xi32, #tpu.memory_space<hbm>> -> memref<1x1x1x80xi32, #tpu.memory_space<hbm>>
    %dma_start3A_106 = tpu.memref_squeeze %dma_start3A_105 : memref<1x1x1x80xi32, #tpu.memory_space<hbm>> -> memref<80xi32, #tpu.memory_space<hbm>>
    %dma_start3A_107 = arith.constant 0 : i32
    %dma_start3A_108 = tpu.memref_slice %arg8[%dma_start3A_99, %dma_start3A_100, %dma_start3A_107] : memref<4x2x80xi32, #tpu.memory_space<vmem>> -> memref<1x1x80xi32, #tpu.memory_space<vmem>>
    %dma_start3A_109 = tpu.memref_squeeze %dma_start3A_108 : memref<1x1x80xi32, #tpu.memory_space<vmem>> -> memref<80xi32, #tpu.memory_space<vmem>>
    %dma_start3A_110 = arith.constant 0 : i32
    %dma_start3A_111 = tpu.memref_slice %arg2[%dma_start3A_97, %add3A, %dma_start3A_98, %dma_start3A_110] : memref<2x32x125x80xi32, #tpu.memory_space<hbm>> -> memref<1x1x1x80xi32, #tpu.memory_space<hbm>>
    %dma_start3A_112 = tpu.memref_squeeze %dma_start3A_111 : memref<1x1x1x80xi32, #tpu.memory_space<hbm>> -> memref<80xi32, #tpu.memory_space<hbm>>
    tpu.enqueue_dma source(%dma_start3A_112 : memref<80xi32, #tpu.memory_space<hbm>>) target(%dma_start3A_109 : memref<80xi32, #tpu.memory_space<vmem>>) target_semaphore(%arg17 : memref<!tpu.dma_semaphore, #tpu.memory_space<semaphore_mem>>)
    %dma_start3A_113 = arith.constant 1 : i32
    %dma_start3A_114 = arith.constant 3 : i32
    %dma_start3A_115 = arith.constant 3 : i32
    %dma_start3A_116 = arith.constant 1 : i32
    %dma_start3A_117 = arith.constant 0 : i32
    %dma_start3A_118 = tpu.memref_slice %arg8[%dma_start3A_115, %dma_start3A_116, %dma_start3A_117] : memref<4x2x80xi32, #tpu.memory_space<vmem>> -> memref<1x1x80xi32, #tpu.memory_space<vmem>>
    %dma_start3A_119 = tpu.memref_squeeze %dma_start3A_118 : memref<1x1x80xi32, #tpu.memory_space<vmem>> -> memref<80xi32, #tpu.memory_space<vmem>>
    %dma_start3A_120 = arith.constant 0 : i32
    %dma_start3A_121 = tpu.memref_slice %arg2[%dma_start3A_113, %add3A, %dma_start3A_114, %dma_start3A_120] : memref<2x32x125x80xi32, #tpu.memory_space<hbm>> -> memref<1x1x1x80xi32, #tpu.memory_space<hbm>>
    %dma_start3A_122 = tpu.memref_squeeze %dma_start3A_121 : memref<1x1x1x80xi32, #tpu.memory_space<hbm>> -> memref<80xi32, #tpu.memory_space<hbm>>
    %dma_start3A_123 = arith.constant 0 : i32
    %dma_start3A_124 = tpu.memref_slice %arg8[%dma_start3A_115, %dma_start3A_116, %dma_start3A_123] : memref<4x2x80xi32, #tpu.memory_space<vmem>> -> memref<1x1x80xi32, #tpu.memory_space<vmem>>
    %dma_start3A_125 = tpu.memref_squeeze %dma_start3A_124 : memref<1x1x80xi32, #tpu.memory_space<vmem>> -> memref<80xi32, #tpu.memory_space<vmem>>
    %dma_start3A_126 = arith.constant 0 : i32
    %dma_start3A_127 = tpu.memref_slice %arg2[%dma_start3A_113, %add3A, %dma_start3A_114, %dma_start3A_126] : memref<2x32x125x80xi32, #tpu.memory_space<hbm>> -> memref<1x1x1x80xi32, #tpu.memory_space<hbm>>
    %dma_start3A_128 = tpu.memref_squeeze %dma_start3A_127 : memref<1x1x1x80xi32, #tpu.memory_space<hbm>> -> memref<80xi32, #tpu.memory_space<hbm>>
    tpu.enqueue_dma source(%dma_start3A_128 : memref<80xi32, #tpu.memory_space<hbm>>) target(%dma_start3A_125 : memref<80xi32, #tpu.memory_space<vmem>>) target_semaphore(%arg17 : memref<!tpu.dma_semaphore, #tpu.memory_space<semaphore_mem>>)
    %mul3A_129 = arith.constant 640 : i32
    %mul3A_130 = arith.muli %arg1, %mul3A_129 : i32
    "tpu.region"() ({
      %run_scoped3A_229 = tpu.sem_alloc : memref<!tpu.dma_semaphore, #tpu.memory_space<semaphore_mem>>
      %dma_start3A_230 = arith.constant 0 : i32
      %dma_start3A_231 = tpu.memref_slice %arg11[%mul3A_130, %dma_start3A_230] : memref<10240x128xf32, #tpu.memory_space<vmem_shared>> -> memref<640x128xf32, #tpu.memory_space<vmem_shared>>
      tpu.enqueue_dma source(%arg4 : memref<640x128xf32, #tpu.memory_space<hbm>>) target(%dma_start3A_231 : memref<640x128xf32, #tpu.memory_space<vmem_shared>>) target_semaphore(%run_scoped3A_229 : memref<!tpu.dma_semaphore, #tpu.memory_space<semaphore_mem>>)
      %dma_wait3A_232 = arith.constant 0 : i32
      %dma_wait3A_233 = tpu.memref_slice %arg11[%mul3A_130, %dma_wait3A_232] : memref<10240x128xf32, #tpu.memory_space<vmem_shared>> -> memref<640x128xf32, #tpu.memory_space<vmem_shared>>
      tpu.wait_dma2 semaphore(%run_scoped3A_229 : memref<!tpu.dma_semaphore, #tpu.memory_space<semaphore_mem>>) src(%arg4 : memref<640x128xf32, #tpu.memory_space<hbm>>) dst(%dma_wait3A_233 : memref<640x128xf32, #tpu.memory_space<vmem_shared>>)
      tpu.yield
    }) : () -> ()
    "tpu.region"() ({
      %run_scoped3A_229 = tpu.sem_alloc : memref<!tpu.dma_semaphore, #tpu.memory_space<semaphore_mem>>
      tpu.enqueue_dma source(%arg5 : memref<10240xf32, #tpu.memory_space<hbm>>) target(%arg10 : memref<10240xf32, #tpu.memory_space<vmem>>) target_semaphore(%run_scoped3A_229 : memref<!tpu.dma_semaphore, #tpu.memory_space<semaphore_mem>>)
      tpu.wait_dma2 semaphore(%run_scoped3A_229 : memref<!tpu.dma_semaphore, #tpu.memory_space<semaphore_mem>>) src(%arg5 : memref<10240xf32, #tpu.memory_space<hbm>>) dst(%arg10 : memref<10240xf32, #tpu.memory_space<vmem>>)
      tpu.yield
    }) : () -> ()
    %barrier3A = arith.constant 0 : index
    tpu.barrier barrier_id(%barrier3A)
    %dma_wait3A = arith.constant 0 : i32
    %dma_wait3A_131 = arith.constant 0 : i32
    %dma_wait3A_132 = arith.constant 0 : i32
    %dma_wait3A_133 = arith.constant 0 : i32
    %dma_wait3A_134 = arith.constant 0 : i32
    %dma_wait3A_135 = tpu.memref_slice %arg8[%dma_wait3A_132, %dma_wait3A_133, %dma_wait3A_134] : memref<4x2x80xi32, #tpu.memory_space<vmem>> -> memref<1x1x80xi32, #tpu.memory_space<vmem>>
    %dma_wait3A_136 = tpu.memref_squeeze %dma_wait3A_135 : memref<1x1x80xi32, #tpu.memory_space<vmem>> -> memref<80xi32, #tpu.memory_space<vmem>>
    %dma_wait3A_137 = arith.constant 0 : i32
    %dma_wait3A_138 = tpu.memref_slice %arg2[%dma_wait3A, %add3A, %dma_wait3A_131, %dma_wait3A_137] : memref<2x32x125x80xi32, #tpu.memory_space<hbm>> -> memref<1x1x1x80xi32, #tpu.memory_space<hbm>>
    %dma_wait3A_139 = tpu.memref_squeeze %dma_wait3A_138 : memref<1x1x1x80xi32, #tpu.memory_space<hbm>> -> memref<80xi32, #tpu.memory_space<hbm>>
    %dma_wait3A_140 = arith.constant 0 : i32
    %dma_wait3A_141 = tpu.memref_slice %arg8[%dma_wait3A_132, %dma_wait3A_133, %dma_wait3A_140] : memref<4x2x80xi32, #tpu.memory_space<vmem>> -> memref<1x1x80xi32, #tpu.memory_space<vmem>>
    %dma_wait3A_142 = tpu.memref_squeeze %dma_wait3A_141 : memref<1x1x80xi32, #tpu.memory_space<vmem>> -> memref<80xi32, #tpu.memory_space<vmem>>
    %dma_wait3A_143 = arith.constant 0 : i32
    %dma_wait3A_144 = tpu.memref_slice %arg2[%dma_wait3A, %add3A, %dma_wait3A_131, %dma_wait3A_143] : memref<2x32x125x80xi32, #tpu.memory_space<hbm>> -> memref<1x1x1x80xi32, #tpu.memory_space<hbm>>
    %dma_wait3A_145 = tpu.memref_squeeze %dma_wait3A_144 : memref<1x1x1x80xi32, #tpu.memory_space<hbm>> -> memref<80xi32, #tpu.memory_space<hbm>>
    tpu.wait_dma2 semaphore(%arg14 : memref<!tpu.dma_semaphore, #tpu.memory_space<semaphore_mem>>) src(%dma_wait3A_145 : memref<80xi32, #tpu.memory_space<hbm>>) dst(%dma_wait3A_142 : memref<80xi32, #tpu.memory_space<vmem>>)
    %dma_wait3A_146 = arith.constant 1 : i32
    %dma_wait3A_147 = arith.constant 0 : i32
    %dma_wait3A_148 = arith.constant 0 : i32
    %dma_wait3A_149 = arith.constant 1 : i32
    %dma_wait3A_150 = arith.constant 0 : i32
    %dma_wait3A_151 = tpu.memref_slice %arg8[%dma_wait3A_148, %dma_wait3A_149, %dma_wait3A_150] : memref<4x2x80xi32, #tpu.memory_space<vmem>> -> memref<1x1x80xi32, #tpu.memory_space<vmem>>
    %dma_wait3A_152 = tpu.memref_squeeze %dma_wait3A_151 : memref<1x1x80xi32, #tpu.memory_space<vmem>> -> memref<80xi32, #tpu.memory_space<vmem>>
    %dma_wait3A_153 = arith.constant 0 : i32
    %dma_wait3A_154 = tpu.memref_slice %arg2[%dma_wait3A_146, %add3A, %dma_wait3A_147, %dma_wait3A_153] : memref<2x32x125x80xi32, #tpu.memory_space<hbm>> -> memref<1x1x1x80xi32, #tpu.memory_space<hbm>>
    %dma_wait3A_155 = tpu.memref_squeeze %dma_wait3A_154 : memref<1x1x1x80xi32, #tpu.memory_space<hbm>> -> memref<80xi32, #tpu.memory_space<hbm>>
    %dma_wait3A_156 = arith.constant 0 : i32
    %dma_wait3A_157 = tpu.memref_slice %arg8[%dma_wait3A_148, %dma_wait3A_149, %dma_wait3A_156] : memref<4x2x80xi32, #tpu.memory_space<vmem>> -> memref<1x1x80xi32, #tpu.memory_space<vmem>>
    %dma_wait3A_158 = tpu.memref_squeeze %dma_wait3A_157 : memref<1x1x80xi32, #tpu.memory_space<vmem>> -> memref<80xi32, #tpu.memory_space<vmem>>
    %dma_wait3A_159 = arith.constant 0 : i32
    %dma_wait3A_160 = tpu.memref_slice %arg2[%dma_wait3A_146, %add3A, %dma_wait3A_147, %dma_wait3A_159] : memref<2x32x125x80xi32, #tpu.memory_space<hbm>> -> memref<1x1x1x80xi32, #tpu.memory_space<hbm>>
    %dma_wait3A_161 = tpu.memref_squeeze %dma_wait3A_160 : memref<1x1x1x80xi32, #tpu.memory_space<hbm>> -> memref<80xi32, #tpu.memory_space<hbm>>
    tpu.wait_dma2 semaphore(%arg14 : memref<!tpu.dma_semaphore, #tpu.memory_space<semaphore_mem>>) src(%dma_wait3A_161 : memref<80xi32, #tpu.memory_space<hbm>>) dst(%dma_wait3A_158 : memref<80xi32, #tpu.memory_space<vmem>>)
    %dma_start3A_162 = arith.constant 0 : i32
    %dma_start3A_163 = arith.constant 0 : i32
    %dma_start3A_164 = arith.constant 0 : i32
    %dma_start3A_165 = arith.constant 0 : i32
    %dma_start3A_166 = arith.constant 0 : i32
    %dma_start3A_167 = tpu.memref_slice %arg9[%dma_start3A_164, %dma_start3A_165, %dma_start3A_166] : memref<2x80x128xf32, #tpu.memory_space<vmem>> -> memref<1x80x128xf32, #tpu.memory_space<vmem>>
    %dma_start3A_168 = tpu.memref_squeeze %dma_start3A_167 : memref<1x80x128xf32, #tpu.memory_space<vmem>> -> memref<80x128xf32, #tpu.memory_space<vmem>>
    %dma_start3A_169 = arith.constant 0 : i32
    %dma_start3A_170 = tpu.memref_slice %arg8[%dma_start3A_162, %dma_start3A_163, %dma_start3A_169] : memref<4x2x80xi32, #tpu.memory_space<vmem>> -> memref<1x1x80xi32, #tpu.memory_space<vmem>>
    %dma_start3A_171 = tpu.memref_squeeze %dma_start3A_170 : memref<1x1x80xi32, #tpu.memory_space<vmem>> -> memref<80xi32, #tpu.memory_space<vmem>>
    %dma_start3A_172 = arith.constant 0 : i32
    %dma_start3A_173 = arith.constant 0 : i32
    %dma_start3A_174 = tpu.memref_slice %arg3[%dma_start3A_172, %dma_start3A_173] : memref<10000x128xf32, #tpu.memory_space<hbm>> -> memref<10000x128xf32, #tpu.memory_space<hbm>>
    tpu.enqueue_indirect_dma source(%dma_start3A_174 : memref<10000x128xf32, #tpu.memory_space<hbm>>) target(%dma_start3A_168 : memref<80x128xf32, #tpu.memory_space<vmem>>) offsets(%dma_start3A_171 : memref<80xi32, #tpu.memory_space<vmem>>) semaphore(%arg12 : memref<!tpu.dma_semaphore, #tpu.memory_space<semaphore_mem>>)
    %get3A = arith.constant 0 : i32
    %get3A_175 = arith.constant 1 : i32
    %get3A_176 = arith.index_cast %get3A : i32 to index
    %get3A_177 = arith.index_cast %get3A_175 : i32 to index
    %get3A_178 = arith.constant 0 : index
    %get3A_179 = tpu.vector_load %arg8[%get3A_176, %get3A_177, %get3A_178] {strides = array<i32>} : memref<4x2x80xi32, #tpu.memory_space<vmem>>, vector<16xi32>,
    tpu.vector_store_idx %arg10[%get3A_179], %broadcast_in_dim3A_1 {add = true} : memref<10240xf32, #tpu.memory_space<vmem>>[vector<16xi32>], vector<16xf32>,
    %get3A_180 = arith.constant 0 : i32
    %get3A_181 = arith.constant 1 : i32
    %get3A_182 = arith.index_cast %get3A_180 : i32 to index
    %get3A_183 = arith.index_cast %get3A_181 : i32 to index
    %get3A_184 = arith.constant 16 : index
    %get3A_185 = tpu.vector_load %arg8[%get3A_182, %get3A_183, %get3A_184] {strides = array<i32>} : memref<4x2x80xi32, #tpu.memory_space<vmem>>, vector<16xi32>,
    tpu.vector_store_idx %arg10[%get3A_185], %broadcast_in_dim3A_1 {add = true} : memref<10240xf32, #tpu.memory_space<vmem>>[vector<16xi32>], vector<16xf32>,
    %get3A_186 = arith.constant 0 : i32
    %get3A_187 = arith.constant 1 : i32
    %get3A_188 = arith.index_cast %get3A_186 : i32 to index
    %get3A_189 = arith.index_cast %get3A_187 : i32 to index
    %get3A_190 = arith.constant 32 : index
    %get3A_191 = tpu.vector_load %arg8[%get3A_188, %get3A_189, %get3A_190] {strides = array<i32>} : memref<4x2x80xi32, #tpu.memory_space<vmem>>, vector<16xi32>,
    tpu.vector_store_idx %arg10[%get3A_191], %broadcast_in_dim3A_1 {add = true} : memref<10240xf32, #tpu.memory_space<vmem>>[vector<16xi32>], vector<16xf32>,
    %get3A_192 = arith.constant 0 : i32
    %get3A_193 = arith.constant 1 : i32
    %get3A_194 = arith.index_cast %get3A_192 : i32 to index
    %get3A_195 = arith.index_cast %get3A_193 : i32 to index
    %get3A_196 = arith.constant 48 : index
    %get3A_197 = tpu.vector_load %arg8[%get3A_194, %get3A_195, %get3A_196] {strides = array<i32>} : memref<4x2x80xi32, #tpu.memory_space<vmem>>, vector<16xi32>,
    tpu.vector_store_idx %arg10[%get3A_197], %broadcast_in_dim3A_1 {add = true} : memref<10240xf32, #tpu.memory_space<vmem>>[vector<16xi32>], vector<16xf32>,
    %get3A_198 = arith.constant 0 : i32
    %get3A_199 = arith.constant 1 : i32
    %get3A_200 = arith.index_cast %get3A_198 : i32 to index
    %get3A_201 = arith.index_cast %get3A_199 : i32 to index
    %get3A_202 = arith.constant 64 : index
    %get3A_203 = tpu.vector_load %arg8[%get3A_200, %get3A_201, %get3A_202] {strides = array<i32>} : memref<4x2x80xi32, #tpu.memory_space<vmem>>, vector<16xi32>,
    tpu.vector_store_idx %arg10[%get3A_203], %broadcast_in_dim3A_1 {add = true} : memref<10240xf32, #tpu.memory_space<vmem>>[vector<16xi32>], vector<16xf32>,
    %scan3A = arith.constant 0 : i32
    %scan3A_204 = arith.constant 0 : i32
    %scan3A_205 = arith.constant 31 : i32
    %scan3A_206 = arith.addi %scan3A_204, %scan3A_205 : i32
    %scan3A_207 = arith.constant 1 : i32
    scf.for %scan3A_229 = %scan3A_204 to %scan3A_206 step %scan3A_207  : i32 {
      %mul3A_230 = arith.constant 4 : i32
      %mul3A_231 = arith.muli %mul3A_230, %scan3A_229 : i32
      %add3A_232 = arith.constant 1 : i32
      %add3A_233 = arith.addi %mul3A_231, %add3A_232 : i32
      %dma_wait3A_234 = arith.constant 0 : i32
      %dma_wait3A_235 = arith.constant 1 : i32
      %dma_wait3A_236 = arith.constant 0 : i32
      %dma_wait3A_237 = arith.constant 0 : i32
      %dma_wait3A_238 = tpu.memref_slice %arg8[%dma_wait3A_235, %dma_wait3A_236, %dma_wait3A_237] : memref<4x2x80xi32, #tpu.memory_space<vmem>> -> memref<1x1x80xi32, #tpu.memory_space<vmem>>
      %dma_wait3A_239 = tpu.memref_squeeze %dma_wait3A_238 : memref<1x1x80xi32, #tpu.memory_space<vmem>> -> memref<80xi32, #tpu.memory_space<vmem>>
      %dma_wait3A_240 = arith.constant 0 : i32
      %dma_wait3A_241 = tpu.memref_slice %arg2[%dma_wait3A_234, %add3A, %add3A_233, %dma_wait3A_240] : memref<2x32x125x80xi32, #tpu.memory_space<hbm>> -> memref<1x1x1x80xi32, #tpu.memory_space<hbm>>
      %dma_wait3A_242 = tpu.memref_squeeze %dma_wait3A_241 : memref<1x1x1x80xi32, #tpu.memory_space<hbm>> -> memref<80xi32, #tpu.memory_space<hbm>>
      %dma_wait3A_243 = arith.constant 0 : i32
      %dma_wait3A_244 = tpu.memref_slice %arg8[%dma_wait3A_235, %dma_wait3A_236, %dma_wait3A_243] : memref<4x2x80xi32, #tpu.memory_space<vmem>> -> memref<1x1x80xi32, #tpu.memory_space<vmem>>
      %dma_wait3A_245 = tpu.memref_squeeze %dma_wait3A_244 : memref<1x1x80xi32, #tpu.memory_space<vmem>> -> memref<80xi32, #tpu.memory_space<vmem>>
      %dma_wait3A_246 = arith.constant 0 : i32
      %dma_wait3A_247 = tpu.memref_slice %arg2[%dma_wait3A_234, %add3A, %add3A_233, %dma_wait3A_246] : memref<2x32x125x80xi32, #tpu.memory_space<hbm>> -> memref<1x1x1x80xi32, #tpu.memory_space<hbm>>
      %dma_wait3A_248 = tpu.memref_squeeze %dma_wait3A_247 : memref<1x1x1x80xi32, #tpu.memory_space<hbm>> -> memref<80xi32, #tpu.memory_space<hbm>>
      tpu.wait_dma2 semaphore(%arg15 : memref<!tpu.dma_semaphore, #tpu.memory_space<semaphore_mem>>) src(%dma_wait3A_248 : memref<80xi32, #tpu.memory_space<hbm>>) dst(%dma_wait3A_245 : memref<80xi32, #tpu.memory_space<vmem>>)
      %dma_wait3A_249 = arith.constant 1 : i32
      %dma_wait3A_250 = arith.constant 1 : i32
      %dma_wait3A_251 = arith.constant 1 : i32
      %dma_wait3A_252 = arith.constant 0 : i32
      %dma_wait3A_253 = tpu.memref_slice %arg8[%dma_wait3A_250, %dma_wait3A_251, %dma_wait3A_252] : memref<4x2x80xi32, #tpu.memory_space<vmem>> -> memref<1x1x80xi32, #tpu.memory_space<vmem>>
      %dma_wait3A_254 = tpu.memref_squeeze %dma_wait3A_253 : memref<1x1x80xi32, #tpu.memory_space<vmem>> -> memref<80xi32, #tpu.memory_space<vmem>>
      %dma_wait3A_255 = arith.constant 0 : i32
      %dma_wait3A_256 = tpu.memref_slice %arg2[%dma_wait3A_249, %add3A, %add3A_233, %dma_wait3A_255] : memref<2x32x125x80xi32, #tpu.memory_space<hbm>> -> memref<1x1x1x80xi32, #tpu.memory_space<hbm>>
      %dma_wait3A_257 = tpu.memref_squeeze %dma_wait3A_256 : memref<1x1x1x80xi32, #tpu.memory_space<hbm>> -> memref<80xi32, #tpu.memory_space<hbm>>
      %dma_wait3A_258 = arith.constant 0 : i32
      %dma_wait3A_259 = tpu.memref_slice %arg8[%dma_wait3A_250, %dma_wait3A_251, %dma_wait3A_258] : memref<4x2x80xi32, #tpu.memory_space<vmem>> -> memref<1x1x80xi32, #tpu.memory_space<vmem>>
      %dma_wait3A_260 = tpu.memref_squeeze %dma_wait3A_259 : memref<1x1x80xi32, #tpu.memory_space<vmem>> -> memref<80xi32, #tpu.memory_space<vmem>>
      %dma_wait3A_261 = arith.constant 0 : i32
      %dma_wait3A_262 = tpu.memref_slice %arg2[%dma_wait3A_249, %add3A, %add3A_233, %dma_wait3A_261] : memref<2x32x125x80xi32, #tpu.memory_space<hbm>> -> memref<1x1x1x80xi32, #tpu.memory_space<hbm>>
      %dma_wait3A_263 = tpu.memref_squeeze %dma_wait3A_262 : memref<1x1x1x80xi32, #tpu.memory_space<hbm>> -> memref<80xi32, #tpu.memory_space<hbm>>
      tpu.wait_dma2 semaphore(%arg15 : memref<!tpu.dma_semaphore, #tpu.memory_space<semaphore_mem>>) src(%dma_wait3A_263 : memref<80xi32, #tpu.memory_space<hbm>>) dst(%dma_wait3A_260 : memref<80xi32, #tpu.memory_space<vmem>>)
      %dma_start3A_264 = arith.constant 1 : i32
      %dma_start3A_265 = arith.constant 0 : i32
      %dma_start3A_266 = arith.constant 1 : i32
      %dma_start3A_267 = arith.constant 0 : i32
      %dma_start3A_268 = arith.constant 0 : i32
      %dma_start3A_269 = tpu.memref_slice %arg9[%dma_start3A_266, %dma_start3A_267, %dma_start3A_268] : memref<2x80x128xf32, #tpu.memory_space<vmem>> -> memref<1x80x128xf32, #tpu.memory_space<vmem>>
      %dma_start3A_270 = tpu.memref_squeeze %dma_start3A_269 : memref<1x80x128xf32, #tpu.memory_space<vmem>> -> memref<80x128xf32, #tpu.memory_space<vmem>>
      %dma_start3A_271 = arith.constant 0 : i32
      %dma_start3A_272 = tpu.memref_slice %arg8[%dma_start3A_264, %dma_start3A_265, %dma_start3A_271] : memref<4x2x80xi32, #tpu.memory_space<vmem>> -> memref<1x1x80xi32, #tpu.memory_space<vmem>>
      %dma_start3A_273 = tpu.memref_squeeze %dma_start3A_272 : memref<1x1x80xi32, #tpu.memory_space<vmem>> -> memref<80xi32, #tpu.memory_space<vmem>>
      %dma_start3A_274 = arith.constant 0 : i32
      %dma_start3A_275 = arith.constant 0 : i32
      %dma_start3A_276 = tpu.memref_slice %arg3[%dma_start3A_274, %dma_start3A_275] : memref<10000x128xf32, #tpu.memory_space<hbm>> -> memref<10000x128xf32, #tpu.memory_space<hbm>>
      tpu.enqueue_indirect_dma source(%dma_start3A_276 : memref<10000x128xf32, #tpu.memory_space<hbm>>) target(%dma_start3A_270 : memref<80x128xf32, #tpu.memory_space<vmem>>) offsets(%dma_start3A_273 : memref<80xi32, #tpu.memory_space<vmem>>) semaphore(%arg13 : memref<!tpu.dma_semaphore, #tpu.memory_space<semaphore_mem>>)
      %get3A_277 = arith.constant 1 : i32
      %get3A_278 = arith.constant 1 : i32
      %get3A_279 = arith.index_cast %get3A_277 : i32 to index
      %get3A_280 = arith.index_cast %get3A_278 : i32 to index
      %get3A_281 = arith.constant 0 : index
      %get3A_282 = tpu.vector_load %arg8[%get3A_279, %get3A_280, %get3A_281] {strides = array<i32>} : memref<4x2x80xi32, #tpu.memory_space<vmem>>, vector<16xi32>,
      tpu.vector_store_idx %arg10[%get3A_282], %broadcast_in_dim3A_1 {add = true} : memref<10240xf32, #tpu.memory_space<vmem>>[vector<16xi32>], vector<16xf32>,
      %get3A_283 = arith.constant 1 : i32
      %get3A_284 = arith.constant 1 : i32
      %get3A_285 = arith.index_cast %get3A_283 : i32 to index
      %get3A_286 = arith.index_cast %get3A_284 : i32 to index
      %get3A_287 = arith.constant 16 : index
      %get3A_288 = tpu.vector_load %arg8[%get3A_285, %get3A_286, %get3A_287] {strides = array<i32>} : memref<4x2x80xi32, #tpu.memory_space<vmem>>, vector<16xi32>,
      tpu.vector_store_idx %arg10[%get3A_288], %broadcast_in_dim3A_1 {add = true} : memref<10240xf32, #tpu.memory_space<vmem>>[vector<16xi32>], vector<16xf32>,
      %get3A_289 = arith.constant 1 : i32
      %get3A_290 = arith.constant 1 : i32
      %get3A_291 = arith.index_cast %get3A_289 : i32 to index
      %get3A_292 = arith.index_cast %get3A_290 : i32 to index
      %get3A_293 = arith.constant 32 : index
      %get3A_294 = tpu.vector_load %arg8[%get3A_291, %get3A_292, %get3A_293] {strides = array<i32>} : memref<4x2x80xi32, #tpu.memory_space<vmem>>, vector<16xi32>,
      tpu.vector_store_idx %arg10[%get3A_294], %broadcast_in_dim3A_1 {add = true} : memref<10240xf32, #tpu.memory_space<vmem>>[vector<16xi32>], vector<16xf32>,
      %get3A_295 = arith.constant 1 : i32
      %get3A_296 = arith.constant 1 : i32
      %get3A_297 = arith.index_cast %get3A_295 : i32 to index
      %get3A_298 = arith.index_cast %get3A_296 : i32 to index
      %get3A_299 = arith.constant 48 : index
      %get3A_300 = tpu.vector_load %arg8[%get3A_297, %get3A_298, %get3A_299] {strides = array<i32>} : memref<4x2x80xi32, #tpu.memory_space<vmem>>, vector<16xi32>,
      tpu.vector_store_idx %arg10[%get3A_300], %broadcast_in_dim3A_1 {add = true} : memref<10240xf32, #tpu.memory_space<vmem>>[vector<16xi32>], vector<16xf32>,
      %get3A_301 = arith.constant 1 : i32
      %get3A_302 = arith.constant 1 : i32
      %get3A_303 = arith.index_cast %get3A_301 : i32 to index
      %get3A_304 = arith.index_cast %get3A_302 : i32 to index
      %get3A_305 = arith.constant 64 : index
      %get3A_306 = tpu.vector_load %arg8[%get3A_303, %get3A_304, %get3A_305] {strides = array<i32>} : memref<4x2x80xi32, #tpu.memory_space<vmem>>, vector<16xi32>,
      tpu.vector_store_idx %arg10[%get3A_306], %broadcast_in_dim3A_1 {add = true} : memref<10240xf32, #tpu.memory_space<vmem>>[vector<16xi32>], vector<16xf32>,
      %dma_wait3A_307 = arith.constant 0 : i32
      %dma_wait3A_308 = arith.constant 0 : i32
      %dma_wait3A_309 = arith.constant 0 : i32
      %dma_wait3A_310 = arith.constant 0 : i32
      %dma_wait3A_311 = arith.constant 0 : i32
      %dma_wait3A_312 = tpu.memref_slice %arg9[%dma_wait3A_309, %dma_wait3A_310, %dma_wait3A_311] : memref<2x80x128xf32, #tpu.memory_space<vmem>> -> memref<1x80x128xf32, #tpu.memory_space<vmem>>
      %dma_wait3A_313 = tpu.memref_squeeze %dma_wait3A_312 : memref<1x80x128xf32, #tpu.memory_space<vmem>> -> memref<80x128xf32, #tpu.memory_space<vmem>>
      %dma_wait3A_314 = arith.constant 0 : i32
      %dma_wait3A_315 = tpu.memref_slice %arg8[%dma_wait3A_307, %dma_wait3A_308, %dma_wait3A_314] : memref<4x2x80xi32, #tpu.memory_space<vmem>> -> memref<1x1x80xi32, #tpu.memory_space<vmem>>
      %dma_wait3A_316 = tpu.memref_squeeze %dma_wait3A_315 : memref<1x1x80xi32, #tpu.memory_space<vmem>> -> memref<80xi32, #tpu.memory_space<vmem>>
      %dma_wait3A_317 = arith.constant 0 : i32
      %dma_wait3A_318 = arith.constant 0 : i32
      %dma_wait3A_319 = tpu.memref_slice %arg3[%dma_wait3A_317, %dma_wait3A_318] : memref<10000x128xf32, #tpu.memory_space<hbm>> -> memref<10000x128xf32, #tpu.memory_space<hbm>>
      tpu.wait_indirect_dma semaphore(%arg12 : memref<!tpu.dma_semaphore, #tpu.memory_space<semaphore_mem>>) src(%dma_wait3A_319 : memref<10000x128xf32, #tpu.memory_space<hbm>>) dst(%dma_wait3A_313 : memref<80x128xf32, #tpu.memory_space<vmem>>)
      %run_scoped3A_320 = arith.constant 0 : i32
      %run_scoped3A_321 = arith.constant 0 : i32
      %run_scoped3A_322 = arith.constant 1 : i32
      "tpu.region"() ({
        %run_scoped3A_627 = tpu.sem_alloc : memref<!tpu.dma_semaphore, #tpu.memory_space<semaphore_mem>>
        %dma_start3A_628 = arith.constant 0 : i32
        %dma_start3A_629 = arith.constant 0 : i32
        %dma_start3A_630 = tpu.memref_slice %arg9[%run_scoped3A_320, %dma_start3A_628, %dma_start3A_629] : memref<2x80x128xf32, #tpu.memory_space<vmem>> -> memref<1x80x128xf32, #tpu.memory_space<vmem>>
        %dma_start3A_631 = tpu.memref_squeeze %dma_start3A_630 : memref<1x80x128xf32, #tpu.memory_space<vmem>> -> memref<80x128xf32, #tpu.memory_space<vmem>>
        %dma_start3A_632 = arith.constant 0 : i32
        %dma_start3A_633 = tpu.memref_slice %arg8[%run_scoped3A_321, %run_scoped3A_322, %dma_start3A_632] : memref<4x2x80xi32, #tpu.memory_space<vmem>> -> memref<1x1x80xi32, #tpu.memory_space<vmem>>
        %dma_start3A_634 = tpu.memref_squeeze %dma_start3A_633 : memref<1x1x80xi32, #tpu.memory_space<vmem>> -> memref<80xi32, #tpu.memory_space<vmem>>
        %dma_start3A_635 = arith.constant 0 : i32
        %dma_start3A_636 = arith.constant 0 : i32
        %dma_start3A_637 = tpu.memref_slice %arg11[%dma_start3A_635, %dma_start3A_636] : memref<10240x128xf32, #tpu.memory_space<vmem_shared>> -> memref<10240x128xf32, #tpu.memory_space<vmem_shared>>
        tpu.enqueue_indirect_dma source(%dma_start3A_631 : memref<80x128xf32, #tpu.memory_space<vmem>>) target(%dma_start3A_637 : memref<10240x128xf32, #tpu.memory_space<vmem_shared>>) offsets(%dma_start3A_634 : memref<80xi32, #tpu.memory_space<vmem>>) semaphore(%run_scoped3A_627 : memref<!tpu.dma_semaphore, #tpu.memory_space<semaphore_mem>>) {add = true}
        %dma_wait3A_638 = arith.constant 0 : i32
        %dma_wait3A_639 = arith.constant 0 : i32
        %dma_wait3A_640 = tpu.memref_slice %arg9[%run_scoped3A_320, %dma_wait3A_638, %dma_wait3A_639] : memref<2x80x128xf32, #tpu.memory_space<vmem>> -> memref<1x80x128xf32, #tpu.memory_space<vmem>>
        %dma_wait3A_641 = tpu.memref_squeeze %dma_wait3A_640 : memref<1x80x128xf32, #tpu.memory_space<vmem>> -> memref<80x128xf32, #tpu.memory_space<vmem>>
        %dma_wait3A_642 = arith.constant 0 : i32
        %dma_wait3A_643 = tpu.memref_slice %arg8[%run_scoped3A_321, %run_scoped3A_322, %dma_wait3A_642] : memref<4x2x80xi32, #tpu.memory_space<vmem>> -> memref<1x1x80xi32, #tpu.memory_space<vmem>>
        %dma_wait3A_644 = tpu.memref_squeeze %dma_wait3A_643 : memref<1x1x80xi32, #tpu.memory_space<vmem>> -> memref<80xi32, #tpu.memory_space<vmem>>
        %dma_wait3A_645 = arith.constant 0 : i32
        %dma_wait3A_646 = arith.constant 0 : i32
        %dma_wait3A_647 = tpu.memref_slice %arg11[%dma_wait3A_645, %dma_wait3A_646] : memref<10240x128xf32, #tpu.memory_space<vmem_shared>> -> memref<10240x128xf32, #tpu.memory_space<vmem_shared>>
        tpu.wait_indirect_dma semaphore(%run_scoped3A_627 : memref<!tpu.dma_semaphore, #tpu.memory_space<semaphore_mem>>) src(%dma_wait3A_641 : memref<80x128xf32, #tpu.memory_space<vmem>>) dst(%dma_wait3A_647 : memref<10240x128xf32, #tpu.memory_space<vmem_shared>>)
        tpu.yield
      }) : () -> ()
      %add3A_323 = arith.constant 4 : i32
      %add3A_324 = arith.addi %mul3A_231, %add3A_323 : i32
      %lt3A = arith.constant 125 : i32
      %lt3A_325 = arith.cmpi slt, %add3A_324, %lt3A : i32
      %convert_element_type3A = arith.extui %lt3A_325 : i1 to i32
      %cond3A = arith.constant 0 : i32
      %cond3A_326 = arith.cmpi ne, %convert_element_type3A, %cond3A : i32
      scf.if %cond3A_326 {
        %add3A_627 = arith.constant 4 : i32
        %add3A_628 = arith.addi %mul3A_231, %add3A_627 : i32
        %dma_start3A_629 = arith.constant 0 : i32
        %dma_start3A_630 = arith.constant 0 : i32
        %dma_start3A_631 = arith.constant 0 : i32
        %dma_start3A_632 = arith.constant 0 : i32
        %dma_start3A_633 = tpu.memref_slice %arg8[%dma_start3A_630, %dma_start3A_631, %dma_start3A_632] : memref<4x2x80xi32, #tpu.memory_space<vmem>> -> memref<1x1x80xi32, #tpu.memory_space<vmem>>
        %dma_start3A_634 = tpu.memref_squeeze %dma_start3A_633 : memref<1x1x80xi32, #tpu.memory_space<vmem>> -> memref<80xi32, #tpu.memory_space<vmem>>
        %dma_start3A_635 = arith.constant 0 : i32
        %dma_start3A_636 = tpu.memref_slice %arg2[%dma_start3A_629, %add3A, %add3A_628, %dma_start3A_635] : memref<2x32x125x80xi32, #tpu.memory_space<hbm>> -> memref<1x1x1x80xi32, #tpu.memory_space<hbm>>
        %dma_start3A_637 = tpu.memref_squeeze %dma_start3A_636 : memref<1x1x1x80xi32, #tpu.memory_space<hbm>> -> memref<80xi32, #tpu.memory_space<hbm>>
        %dma_start3A_638 = arith.constant 0 : i32
        %dma_start3A_639 = tpu.memref_slice %arg8[%dma_start3A_630, %dma_start3A_631, %dma_start3A_638] : memref<4x2x80xi32, #tpu.memory_space<vmem>> -> memref<1x1x80xi32, #tpu.memory_space<vmem>>
        %dma_start3A_640 = tpu.memref_squeeze %dma_start3A_639 : memref<1x1x80xi32, #tpu.memory_space<vmem>> -> memref<80xi32, #tpu.memory_space<vmem>>
        %dma_start3A_641 = arith.constant 0 : i32
        %dma_start3A_642 = tpu.memref_slice %arg2[%dma_start3A_629, %add3A, %add3A_628, %dma_start3A_641] : memref<2x32x125x80xi32, #tpu.memory_space<hbm>> -> memref<1x1x1x80xi32, #tpu.memory_space<hbm>>
        %dma_start3A_643 = tpu.memref_squeeze %dma_start3A_642 : memref<1x1x1x80xi32, #tpu.memory_space<hbm>> -> memref<80xi32, #tpu.memory_space<hbm>>
        tpu.enqueue_dma source(%dma_start3A_643 : memref<80xi32, #tpu.memory_space<hbm>>) target(%dma_start3A_640 : memref<80xi32, #tpu.memory_space<vmem>>) target_semaphore(%arg14 : memref<!tpu.dma_semaphore, #tpu.memory_space<semaphore_mem>>)
        %dma_start3A_644 = arith.constant 1 : i32
        %dma_start3A_645 = arith.constant 0 : i32
        %dma_start3A_646 = arith.constant 1 : i32
        %dma_start3A_647 = arith.constant 0 : i32
        %dma_start3A_648 = tpu.memref_slice %arg8[%dma_start3A_645, %dma_start3A_646, %dma_start3A_647] : memref<4x2x80xi32, #tpu.memory_space<vmem>> -> memref<1x1x80xi32, #tpu.memory_space<vmem>>
        %dma_start3A_649 = tpu.memref_squeeze %dma_start3A_648 : memref<1x1x80xi32, #tpu.memory_space<vmem>> -> memref<80xi32, #tpu.memory_space<vmem>>
        %dma_start3A_650 = arith.constant 0 : i32
        %dma_start3A_651 = tpu.memref_slice %arg2[%dma_start3A_644, %add3A, %add3A_628, %dma_start3A_650] : memref<2x32x125x80xi32, #tpu.memory_space<hbm>> -> memref<1x1x1x80xi32, #tpu.memory_space<hbm>>
        %dma_start3A_652 = tpu.memref_squeeze %dma_start3A_651 : memref<1x1x1x80xi32, #tpu.memory_space<hbm>> -> memref<80xi32, #tpu.memory_space<hbm>>
        %dma_start3A_653 = arith.constant 0 : i32
        %dma_start3A_654 = tpu.memref_slice %arg8[%dma_start3A_645, %dma_start3A_646, %dma_start3A_653] : memref<4x2x80xi32, #tpu.memory_space<vmem>> -> memref<1x1x80xi32, #tpu.memory_space<vmem>>
        %dma_start3A_655 = tpu.memref_squeeze %dma_start3A_654 : memref<1x1x80xi32, #tpu.memory_space<vmem>> -> memref<80xi32, #tpu.memory_space<vmem>>
        %dma_start3A_656 = arith.constant 0 : i32
        %dma_start3A_657 = tpu.memref_slice %arg2[%dma_start3A_644, %add3A, %add3A_628, %dma_start3A_656] : memref<2x32x125x80xi32, #tpu.memory_space<hbm>> -> memref<1x1x1x80xi32, #tpu.memory_space<hbm>>
        %dma_start3A_658 = tpu.memref_squeeze %dma_start3A_657 : memref<1x1x1x80xi32, #tpu.memory_space<hbm>> -> memref<80xi32, #tpu.memory_space<hbm>>
        tpu.enqueue_dma source(%dma_start3A_658 : memref<80xi32, #tpu.memory_space<hbm>>) target(%dma_start3A_655 : memref<80xi32, #tpu.memory_space<vmem>>) target_semaphore(%arg14 : memref<!tpu.dma_semaphore, #tpu.memory_space<semaphore_mem>>)
      } else {
      }
      %add3A_327 = arith.constant 2 : i32
      %add3A_328 = arith.addi %mul3A_231, %add3A_327 : i32
      %dma_wait3A_329 = arith.constant 0 : i32
      %dma_wait3A_330 = arith.constant 2 : i32
      %dma_wait3A_331 = arith.constant 0 : i32
      %dma_wait3A_332 = arith.constant 0 : i32
      %dma_wait3A_333 = tpu.memref_slice %arg8[%dma_wait3A_330, %dma_wait3A_331, %dma_wait3A_332] : memref<4x2x80xi32, #tpu.memory_space<vmem>> -> memref<1x1x80xi32, #tpu.memory_space<vmem>>
      %dma_wait3A_334 = tpu.memref_squeeze %dma_wait3A_333 : memref<1x1x80xi32, #tpu.memory_space<vmem>> -> memref<80xi32, #tpu.memory_space<vmem>>
      %dma_wait3A_335 = arith.constant 0 : i32
      %dma_wait3A_336 = tpu.memref_slice %arg2[%dma_wait3A_329, %add3A, %add3A_328, %dma_wait3A_335] : memref<2x32x125x80xi32, #tpu.memory_space<hbm>> -> memref<1x1x1x80xi32, #tpu.memory_space<hbm>>
      %dma_wait3A_337 = tpu.memref_squeeze %dma_wait3A_336 : memref<1x1x1x80xi32, #tpu.memory_space<hbm>> -> memref<80xi32, #tpu.memory_space<hbm>>
      %dma_wait3A_338 = arith.constant 0 : i32
      %dma_wait3A_339 = tpu.memref_slice %arg8[%dma_wait3A_330, %dma_wait3A_331, %dma_wait3A_338] : memref<4x2x80xi32, #tpu.memory_space<vmem>> -> memref<1x1x80xi32, #tpu.memory_space<vmem>>
      %dma_wait3A_340 = tpu.memref_squeeze %dma_wait3A_339 : memref<1x1x80xi32, #tpu.memory_space<vmem>> -> memref<80xi32, #tpu.memory_space<vmem>>
      %dma_wait3A_341 = arith.constant 0 : i32
      %dma_wait3A_342 = tpu.memref_slice %arg2[%dma_wait3A_329, %add3A, %add3A_328, %dma_wait3A_341] : memref<2x32x125x80xi32, #tpu.memory_space<hbm>> -> memref<1x1x1x80xi32, #tpu.memory_space<hbm>>
      %dma_wait3A_343 = tpu.memref_squeeze %dma_wait3A_342 : memref<1x1x1x80xi32, #tpu.memory_space<hbm>> -> memref<80xi32, #tpu.memory_space<hbm>>
      tpu.wait_dma2 semaphore(%arg16 : memref<!tpu.dma_semaphore, #tpu.memory_space<semaphore_mem>>) src(%dma_wait3A_343 : memref<80xi32, #tpu.memory_space<hbm>>) dst(%dma_wait3A_340 : memref<80xi32, #tpu.memory_space<vmem>>)
      %dma_wait3A_344 = arith.constant 1 : i32
      %dma_wait3A_345 = arith.constant 2 : i32
      %dma_wait3A_346 = arith.constant 1 : i32
      %dma_wait3A_347 = arith.constant 0 : i32
      %dma_wait3A_348 = tpu.memref_slice %arg8[%dma_wait3A_345, %dma_wait3A_346, %dma_wait3A_347] : memref<4x2x80xi32, #tpu.memory_space<vmem>> -> memref<1x1x80xi32, #tpu.memory_space<vmem>>
      %dma_wait3A_349 = tpu.memref_squeeze %dma_wait3A_348 : memref<1x1x80xi32, #tpu.memory_space<vmem>> -> memref<80xi32, #tpu.memory_space<vmem>>
      %dma_wait3A_350 = arith.constant 0 : i32
      %dma_wait3A_351 = tpu.memref_slice %arg2[%dma_wait3A_344, %add3A, %add3A_328, %dma_wait3A_350] : memref<2x32x125x80xi32, #tpu.memory_space<hbm>> -> memref<1x1x1x80xi32, #tpu.memory_space<hbm>>
      %dma_wait3A_352 = tpu.memref_squeeze %dma_wait3A_351 : memref<1x1x1x80xi32, #tpu.memory_space<hbm>> -> memref<80xi32, #tpu.memory_space<hbm>>
      %dma_wait3A_353 = arith.constant 0 : i32
      %dma_wait3A_354 = tpu.memref_slice %arg8[%dma_wait3A_345, %dma_wait3A_346, %dma_wait3A_353] : memref<4x2x80xi32, #tpu.memory_space<vmem>> -> memref<1x1x80xi32, #tpu.memory_space<vmem>>
      %dma_wait3A_355 = tpu.memref_squeeze %dma_wait3A_354 : memref<1x1x80xi32, #tpu.memory_space<vmem>> -> memref<80xi32, #tpu.memory_space<vmem>>
      %dma_wait3A_356 = arith.constant 0 : i32
      %dma_wait3A_357 = tpu.memref_slice %arg2[%dma_wait3A_344, %add3A, %add3A_328, %dma_wait3A_356] : memref<2x32x125x80xi32, #tpu.memory_space<hbm>> -> memref<1x1x1x80xi32, #tpu.memory_space<hbm>>
      %dma_wait3A_358 = tpu.memref_squeeze %dma_wait3A_357 : memref<1x1x1x80xi32, #tpu.memory_space<hbm>> -> memref<80xi32, #tpu.memory_space<hbm>>
      tpu.wait_dma2 semaphore(%arg16 : memref<!tpu.dma_semaphore, #tpu.memory_space<semaphore_mem>>) src(%dma_wait3A_358 : memref<80xi32, #tpu.memory_space<hbm>>) dst(%dma_wait3A_355 : memref<80xi32, #tpu.memory_space<vmem>>)
      %dma_start3A_359 = arith.constant 2 : i32
      %dma_start3A_360 = arith.constant 0 : i32
      %dma_start3A_361 = arith.constant 0 : i32
      %dma_start3A_362 = arith.constant 0 : i32
      %dma_start3A_363 = arith.constant 0 : i32
      %dma_start3A_364 = tpu.memref_slice %arg9[%dma_start3A_361, %dma_start3A_362, %dma_start3A_363] : memref<2x80x128xf32, #tpu.memory_space<vmem>> -> memref<1x80x128xf32, #tpu.memory_space<vmem>>
      %dma_start3A_365 = tpu.memref_squeeze %dma_start3A_364 : memref<1x80x128xf32, #tpu.memory_space<vmem>> -> memref<80x128xf32, #tpu.memory_space<vmem>>
      %dma_start3A_366 = arith.constant 0 : i32
      %dma_start3A_367 = tpu.memref_slice %arg8[%dma_start3A_359, %dma_start3A_360, %dma_start3A_366] : memref<4x2x80xi32, #tpu.memory_space<vmem>> -> memref<1x1x80xi32, #tpu.memory_space<vmem>>
      %dma_start3A_368 = tpu.memref_squeeze %dma_start3A_367 : memref<1x1x80xi32, #tpu.memory_space<vmem>> -> memref<80xi32, #tpu.memory_space<vmem>>
      %dma_start3A_369 = arith.constant 0 : i32
      %dma_start3A_370 = arith.constant 0 : i32
      %dma_start3A_371 = tpu.memref_slice %arg3[%dma_start3A_369, %dma_start3A_370] : memref<10000x128xf32, #tpu.memory_space<hbm>> -> memref<10000x128xf32, #tpu.memory_space<hbm>>
      tpu.enqueue_indirect_dma source(%dma_start3A_371 : memref<10000x128xf32, #tpu.memory_space<hbm>>) target(%dma_start3A_365 : memref<80x128xf32, #tpu.memory_space<vmem>>) offsets(%dma_start3A_368 : memref<80xi32, #tpu.memory_space<vmem>>) semaphore(%arg12 : memref<!tpu.dma_semaphore, #tpu.memory_space<semaphore_mem>>)
      %get3A_372 = arith.constant 2 : i32
      %get3A_373 = arith.constant 1 : i32
      %get3A_374 = arith.index_cast %get3A_372 : i32 to index
      %get3A_375 = arith.index_cast %get3A_373 : i32 to index
      %get3A_376 = arith.constant 0 : index
      %get3A_377 = tpu.vector_load %arg8[%get3A_374, %get3A_375, %get3A_376] {strides = array<i32>} : memref<4x2x80xi32, #tpu.memory_space<vmem>>, vector<16xi32>,
      tpu.vector_store_idx %arg10[%get3A_377], %broadcast_in_dim3A_1 {add = true} : memref<10240xf32, #tpu.memory_space<vmem>>[vector<16xi32>], vector<16xf32>,
      %get3A_378 = arith.constant 2 : i32
      %get3A_379 = arith.constant 1 : i32
      %get3A_380 = arith.index_cast %get3A_378 : i32 to index
      %get3A_381 = arith.index_cast %get3A_379 : i32 to index
      %get3A_382 = arith.constant 16 : index
      %get3A_383 = tpu.vector_load %arg8[%get3A_380, %get3A_381, %get3A_382] {strides = array<i32>} : memref<4x2x80xi32, #tpu.memory_space<vmem>>, vector<16xi32>,
      tpu.vector_store_idx %arg10[%get3A_383], %broadcast_in_dim3A_1 {add = true} : memref<10240xf32, #tpu.memory_space<vmem>>[vector<16xi32>], vector<16xf32>,
      %get3A_384 = arith.constant 2 : i32
      %get3A_385 = arith.constant 1 : i32
      %get3A_386 = arith.index_cast %get3A_384 : i32 to index
      %get3A_387 = arith.index_cast %get3A_385 : i32 to index
      %get3A_388 = arith.constant 32 : index
      %get3A_389 = tpu.vector_load %arg8[%get3A_386, %get3A_387, %get3A_388] {strides = array<i32>} : memref<4x2x80xi32, #tpu.memory_space<vmem>>, vector<16xi32>,
      tpu.vector_store_idx %arg10[%get3A_389], %broadcast_in_dim3A_1 {add = true} : memref<10240xf32, #tpu.memory_space<vmem>>[vector<16xi32>], vector<16xf32>,
      %get3A_390 = arith.constant 2 : i32
      %get3A_391 = arith.constant 1 : i32
      %get3A_392 = arith.index_cast %get3A_390 : i32 to index
      %get3A_393 = arith.index_cast %get3A_391 : i32 to index
      %get3A_394 = arith.constant 48 : index
      %get3A_395 = tpu.vector_load %arg8[%get3A_392, %get3A_393, %get3A_394] {strides = array<i32>} : memref<4x2x80xi32, #tpu.memory_space<vmem>>, vector<16xi32>,
      tpu.vector_store_idx %arg10[%get3A_395], %broadcast_in_dim3A_1 {add = true} : memref<10240xf32, #tpu.memory_space<vmem>>[vector<16xi32>], vector<16xf32>,
      %get3A_396 = arith.constant 2 : i32
      %get3A_397 = arith.constant 1 : i32
      %get3A_398 = arith.index_cast %get3A_396 : i32 to index
      %get3A_399 = arith.index_cast %get3A_397 : i32 to index
      %get3A_400 = arith.constant 64 : index
      %get3A_401 = tpu.vector_load %arg8[%get3A_398, %get3A_399, %get3A_400] {strides = array<i32>} : memref<4x2x80xi32, #tpu.memory_space<vmem>>, vector<16xi32>,
      tpu.vector_store_idx %arg10[%get3A_401], %broadcast_in_dim3A_1 {add = true} : memref<10240xf32, #tpu.memory_space<vmem>>[vector<16xi32>], vector<16xf32>,
      %add3A_402 = arith.constant 1 : i32
      %add3A_403 = arith.addi %mul3A_231, %add3A_402 : i32
      %dma_wait3A_404 = arith.constant 1 : i32
      %dma_wait3A_405 = arith.constant 0 : i32
      %dma_wait3A_406 = arith.constant 1 : i32
      %dma_wait3A_407 = arith.constant 0 : i32
      %dma_wait3A_408 = arith.constant 0 : i32
      %dma_wait3A_409 = tpu.memref_slice %arg9[%dma_wait3A_406, %dma_wait3A_407, %dma_wait3A_408] : memref<2x80x128xf32, #tpu.memory_space<vmem>> -> memref<1x80x128xf32, #tpu.memory_space<vmem>>
      %dma_wait3A_410 = tpu.memref_squeeze %dma_wait3A_409 : memref<1x80x128xf32, #tpu.memory_space<vmem>> -> memref<80x128xf32, #tpu.memory_space<vmem>>
      %dma_wait3A_411 = arith.constant 0 : i32
      %dma_wait3A_412 = tpu.memref_slice %arg8[%dma_wait3A_404, %dma_wait3A_405, %dma_wait3A_411] : memref<4x2x80xi32, #tpu.memory_space<vmem>> -> memref<1x1x80xi32, #tpu.memory_space<vmem>>
      %dma_wait3A_413 = tpu.memref_squeeze %dma_wait3A_412 : memref<1x1x80xi32, #tpu.memory_space<vmem>> -> memref<80xi32, #tpu.memory_space<vmem>>
      %dma_wait3A_414 = arith.constant 0 : i32
      %dma_wait3A_415 = arith.constant 0 : i32
      %dma_wait3A_416 = tpu.memref_slice %arg3[%dma_wait3A_414, %dma_wait3A_415] : memref<10000x128xf32, #tpu.memory_space<hbm>> -> memref<10000x128xf32, #tpu.memory_space<hbm>>
      tpu.wait_indirect_dma semaphore(%arg13 : memref<!tpu.dma_semaphore, #tpu.memory_space<semaphore_mem>>) src(%dma_wait3A_416 : memref<10000x128xf32, #tpu.memory_space<hbm>>) dst(%dma_wait3A_410 : memref<80x128xf32, #tpu.memory_space<vmem>>)
      %run_scoped3A_417 = arith.constant 1 : i32
      %run_scoped3A_418 = arith.constant 1 : i32
      %run_scoped3A_419 = arith.constant 1 : i32
      "tpu.region"() ({
        %run_scoped3A_627 = tpu.sem_alloc : memref<!tpu.dma_semaphore, #tpu.memory_space<semaphore_mem>>
        %dma_start3A_628 = arith.constant 0 : i32
        %dma_start3A_629 = arith.constant 0 : i32
        %dma_start3A_630 = tpu.memref_slice %arg9[%run_scoped3A_417, %dma_start3A_628, %dma_start3A_629] : memref<2x80x128xf32, #tpu.memory_space<vmem>> -> memref<1x80x128xf32, #tpu.memory_space<vmem>>
        %dma_start3A_631 = tpu.memref_squeeze %dma_start3A_630 : memref<1x80x128xf32, #tpu.memory_space<vmem>> -> memref<80x128xf32, #tpu.memory_space<vmem>>
        %dma_start3A_632 = arith.constant 0 : i32
        %dma_start3A_633 = tpu.memref_slice %arg8[%run_scoped3A_418, %run_scoped3A_419, %dma_start3A_632] : memref<4x2x80xi32, #tpu.memory_space<vmem>> -> memref<1x1x80xi32, #tpu.memory_space<vmem>>
        %dma_start3A_634 = tpu.memref_squeeze %dma_start3A_633 : memref<1x1x80xi32, #tpu.memory_space<vmem>> -> memref<80xi32, #tpu.memory_space<vmem>>
        %dma_start3A_635 = arith.constant 0 : i32
        %dma_start3A_636 = arith.constant 0 : i32
        %dma_start3A_637 = tpu.memref_slice %arg11[%dma_start3A_635, %dma_start3A_636] : memref<10240x128xf32, #tpu.memory_space<vmem_shared>> -> memref<10240x128xf32, #tpu.memory_space<vmem_shared>>
        tpu.enqueue_indirect_dma source(%dma_start3A_631 : memref<80x128xf32, #tpu.memory_space<vmem>>) target(%dma_start3A_637 : memref<10240x128xf32, #tpu.memory_space<vmem_shared>>) offsets(%dma_start3A_634 : memref<80xi32, #tpu.memory_space<vmem>>) semaphore(%run_scoped3A_627 : memref<!tpu.dma_semaphore, #tpu.memory_space<semaphore_mem>>) {add = true}
        %dma_wait3A_638 = arith.constant 0 : i32
        %dma_wait3A_639 = arith.constant 0 : i32
        %dma_wait3A_640 = tpu.memref_slice %arg9[%run_scoped3A_417, %dma_wait3A_638, %dma_wait3A_639] : memref<2x80x128xf32, #tpu.memory_space<vmem>> -> memref<1x80x128xf32, #tpu.memory_space<vmem>>
        %dma_wait3A_641 = tpu.memref_squeeze %dma_wait3A_640 : memref<1x80x128xf32, #tpu.memory_space<vmem>> -> memref<80x128xf32, #tpu.memory_space<vmem>>
        %dma_wait3A_642 = arith.constant 0 : i32
        %dma_wait3A_643 = tpu.memref_slice %arg8[%run_scoped3A_418, %run_scoped3A_419, %dma_wait3A_642] : memref<4x2x80xi32, #tpu.memory_space<vmem>> -> memref<1x1x80xi32, #tpu.memory_space<vmem>>
        %dma_wait3A_644 = tpu.memref_squeeze %dma_wait3A_643 : memref<1x1x80xi32, #tpu.memory_space<vmem>> -> memref<80xi32, #tpu.memory_space<vmem>>
        %dma_wait3A_645 = arith.constant 0 : i32
        %dma_wait3A_646 = arith.constant 0 : i32
        %dma_wait3A_647 = tpu.memref_slice %arg11[%dma_wait3A_645, %dma_wait3A_646] : memref<10240x128xf32, #tpu.memory_space<vmem_shared>> -> memref<10240x128xf32, #tpu.memory_space<vmem_shared>>
        tpu.wait_indirect_dma semaphore(%run_scoped3A_627 : memref<!tpu.dma_semaphore, #tpu.memory_space<semaphore_mem>>) src(%dma_wait3A_641 : memref<80x128xf32, #tpu.memory_space<vmem>>) dst(%dma_wait3A_647 : memref<10240x128xf32, #tpu.memory_space<vmem_shared>>)
        tpu.yield
      }) : () -> ()
      %add3A_420 = arith.constant 4 : i32
      %add3A_421 = arith.addi %add3A_403, %add3A_420 : i32
      %lt3A_422 = arith.constant 125 : i32
      %lt3A_423 = arith.cmpi slt, %add3A_421, %lt3A_422 : i32
      %convert_element_type3A_424 = arith.extui %lt3A_423 : i1 to i32
      %cond3A_425 = arith.constant 0 : i32
      %cond3A_426 = arith.cmpi ne, %convert_element_type3A_424, %cond3A_425 : i32
      scf.if %cond3A_426 {
        %add3A_627 = arith.constant 4 : i32
        %add3A_628 = arith.addi %add3A_403, %add3A_627 : i32
        %dma_start3A_629 = arith.constant 0 : i32
        %dma_start3A_630 = arith.constant 1 : i32
        %dma_start3A_631 = arith.constant 0 : i32
        %dma_start3A_632 = arith.constant 0 : i32
        %dma_start3A_633 = tpu.memref_slice %arg8[%dma_start3A_630, %dma_start3A_631, %dma_start3A_632] : memref<4x2x80xi32, #tpu.memory_space<vmem>> -> memref<1x1x80xi32, #tpu.memory_space<vmem>>
        %dma_start3A_634 = tpu.memref_squeeze %dma_start3A_633 : memref<1x1x80xi32, #tpu.memory_space<vmem>> -> memref<80xi32, #tpu.memory_space<vmem>>
        %dma_start3A_635 = arith.constant 0 : i32
        %dma_start3A_636 = tpu.memref_slice %arg2[%dma_start3A_629, %add3A, %add3A_628, %dma_start3A_635] : memref<2x32x125x80xi32, #tpu.memory_space<hbm>> -> memref<1x1x1x80xi32, #tpu.memory_space<hbm>>
        %dma_start3A_637 = tpu.memref_squeeze %dma_start3A_636 : memref<1x1x1x80xi32, #tpu.memory_space<hbm>> -> memref<80xi32, #tpu.memory_space<hbm>>
        %dma_start3A_638 = arith.constant 0 : i32
        %dma_start3A_639 = tpu.memref_slice %arg8[%dma_start3A_630, %dma_start3A_631, %dma_start3A_638] : memref<4x2x80xi32, #tpu.memory_space<vmem>> -> memref<1x1x80xi32, #tpu.memory_space<vmem>>
        %dma_start3A_640 = tpu.memref_squeeze %dma_start3A_639 : memref<1x1x80xi32, #tpu.memory_space<vmem>> -> memref<80xi32, #tpu.memory_space<vmem>>
        %dma_start3A_641 = arith.constant 0 : i32
        %dma_start3A_642 = tpu.memref_slice %arg2[%dma_start3A_629, %add3A, %add3A_628, %dma_start3A_641] : memref<2x32x125x80xi32, #tpu.memory_space<hbm>> -> memref<1x1x1x80xi32, #tpu.memory_space<hbm>>
        %dma_start3A_643 = tpu.memref_squeeze %dma_start3A_642 : memref<1x1x1x80xi32, #tpu.memory_space<hbm>> -> memref<80xi32, #tpu.memory_space<hbm>>
        tpu.enqueue_dma source(%dma_start3A_643 : memref<80xi32, #tpu.memory_space<hbm>>) target(%dma_start3A_640 : memref<80xi32, #tpu.memory_space<vmem>>) target_semaphore(%arg15 : memref<!tpu.dma_semaphore, #tpu.memory_space<semaphore_mem>>)
        %dma_start3A_644 = arith.constant 1 : i32
        %dma_start3A_645 = arith.constant 1 : i32
        %dma_start3A_646 = arith.constant 1 : i32
        %dma_start3A_647 = arith.constant 0 : i32
        %dma_start3A_648 = tpu.memref_slice %arg8[%dma_start3A_645, %dma_start3A_646, %dma_start3A_647] : memref<4x2x80xi32, #tpu.memory_space<vmem>> -> memref<1x1x80xi32, #tpu.memory_space<vmem>>
        %dma_start3A_649 = tpu.memref_squeeze %dma_start3A_648 : memref<1x1x80xi32, #tpu.memory_space<vmem>> -> memref<80xi32, #tpu.memory_space<vmem>>
        %dma_start3A_650 = arith.constant 0 : i32
        %dma_start3A_651 = tpu.memref_slice %arg2[%dma_start3A_644, %add3A, %add3A_628, %dma_start3A_650] : memref<2x32x125x80xi32, #tpu.memory_space<hbm>> -> memref<1x1x1x80xi32, #tpu.memory_space<hbm>>
        %dma_start3A_652 = tpu.memref_squeeze %dma_start3A_651 : memref<1x1x1x80xi32, #tpu.memory_space<hbm>> -> memref<80xi32, #tpu.memory_space<hbm>>
        %dma_start3A_653 = arith.constant 0 : i32
        %dma_start3A_654 = tpu.memref_slice %arg8[%dma_start3A_645, %dma_start3A_646, %dma_start3A_653] : memref<4x2x80xi32, #tpu.memory_space<vmem>> -> memref<1x1x80xi32, #tpu.memory_space<vmem>>
        %dma_start3A_655 = tpu.memref_squeeze %dma_start3A_654 : memref<1x1x80xi32, #tpu.memory_space<vmem>> -> memref<80xi32, #tpu.memory_space<vmem>>
        %dma_start3A_656 = arith.constant 0 : i32
        %dma_start3A_657 = tpu.memref_slice %arg2[%dma_start3A_644, %add3A, %add3A_628, %dma_start3A_656] : memref<2x32x125x80xi32, #tpu.memory_space<hbm>> -> memref<1x1x1x80xi32, #tpu.memory_space<hbm>>
        %dma_start3A_658 = tpu.memref_squeeze %dma_start3A_657 : memref<1x1x1x80xi32, #tpu.memory_space<hbm>> -> memref<80xi32, #tpu.memory_space<hbm>>
        tpu.enqueue_dma source(%dma_start3A_658 : memref<80xi32, #tpu.memory_space<hbm>>) target(%dma_start3A_655 : memref<80xi32, #tpu.memory_space<vmem>>) target_semaphore(%arg15 : memref<!tpu.dma_semaphore, #tpu.memory_space<semaphore_mem>>)
      } else {
      }
      %add3A_427 = arith.constant 3 : i32
      %add3A_428 = arith.addi %mul3A_231, %add3A_427 : i32
      %dma_wait3A_429 = arith.constant 0 : i32
      %dma_wait3A_430 = arith.constant 3 : i32
      %dma_wait3A_431 = arith.constant 0 : i32
      %dma_wait3A_432 = arith.constant 0 : i32
      %dma_wait3A_433 = tpu.memref_slice %arg8[%dma_wait3A_430, %dma_wait3A_431, %dma_wait3A_432] : memref<4x2x80xi32, #tpu.memory_space<vmem>> -> memref<1x1x80xi32, #tpu.memory_space<vmem>>
      %dma_wait3A_434 = tpu.memref_squeeze %dma_wait3A_433 : memref<1x1x80xi32, #tpu.memory_space<vmem>> -> memref<80xi32, #tpu.memory_space<vmem>>
      %dma_wait3A_435 = arith.constant 0 : i32
      %dma_wait3A_436 = tpu.memref_slice %arg2[%dma_wait3A_429, %add3A, %add3A_428, %dma_wait3A_435] : memref<2x32x125x80xi32, #tpu.memory_space<hbm>> -> memref<1x1x1x80xi32, #tpu.memory_space<hbm>>
      %dma_wait3A_437 = tpu.memref_squeeze %dma_wait3A_436 : memref<1x1x1x80xi32, #tpu.memory_space<hbm>> -> memref<80xi32, #tpu.memory_space<hbm>>
      %dma_wait3A_438 = arith.constant 0 : i32
      %dma_wait3A_439 = tpu.memref_slice %arg8[%dma_wait3A_430, %dma_wait3A_431, %dma_wait3A_438] : memref<4x2x80xi32, #tpu.memory_space<vmem>> -> memref<1x1x80xi32, #tpu.memory_space<vmem>>
      %dma_wait3A_440 = tpu.memref_squeeze %dma_wait3A_439 : memref<1x1x80xi32, #tpu.memory_space<vmem>> -> memref<80xi32, #tpu.memory_space<vmem>>
      %dma_wait3A_441 = arith.constant 0 : i32
      %dma_wait3A_442 = tpu.memref_slice %arg2[%dma_wait3A_429, %add3A, %add3A_428, %dma_wait3A_441] : memref<2x32x125x80xi32, #tpu.memory_space<hbm>> -> memref<1x1x1x80xi32, #tpu.memory_space<hbm>>
      %dma_wait3A_443 = tpu.memref_squeeze %dma_wait3A_442 : memref<1x1x1x80xi32, #tpu.memory_space<hbm>> -> memref<80xi32, #tpu.memory_space<hbm>>
      tpu.wait_dma2 semaphore(%arg17 : memref<!tpu.dma_semaphore, #tpu.memory_space<semaphore_mem>>) src(%dma_wait3A_443 : memref<80xi32, #tpu.memory_space<hbm>>) dst(%dma_wait3A_440 : memref<80xi32, #tpu.memory_space<vmem>>)
      %dma_wait3A_444 = arith.constant 1 : i32
      %dma_wait3A_445 = arith.constant 3 : i32
      %dma_wait3A_446 = arith.constant 1 : i32
      %dma_wait3A_447 = arith.constant 0 : i32
      %dma_wait3A_448 = tpu.memref_slice %arg8[%dma_wait3A_445, %dma_wait3A_446, %dma_wait3A_447] : memref<4x2x80xi32, #tpu.memory_space<vmem>> -> memref<1x1x80xi32, #tpu.memory_space<vmem>>
      %dma_wait3A_449 = tpu.memref_squeeze %dma_wait3A_448 : memref<1x1x80xi32, #tpu.memory_space<vmem>> -> memref<80xi32, #tpu.memory_space<vmem>>
      %dma_wait3A_450 = arith.constant 0 : i32
      %dma_wait3A_451 = tpu.memref_slice %arg2[%dma_wait3A_444, %add3A, %add3A_428, %dma_wait3A_450] : memref<2x32x125x80xi32, #tpu.memory_space<hbm>> -> memref<1x1x1x80xi32, #tpu.memory_space<hbm>>
      %dma_wait3A_452 = tpu.memref_squeeze %dma_wait3A_451 : memref<1x1x1x80xi32, #tpu.memory_space<hbm>> -> memref<80xi32, #tpu.memory_space<hbm>>
      %dma_wait3A_453 = arith.constant 0 : i32
      %dma_wait3A_454 = tpu.memref_slice %arg8[%dma_wait3A_445, %dma_wait3A_446, %dma_wait3A_453] : memref<4x2x80xi32, #tpu.memory_space<vmem>> -> memref<1x1x80xi32, #tpu.memory_space<vmem>>
      %dma_wait3A_455 = tpu.memref_squeeze %dma_wait3A_454 : memref<1x1x80xi32, #tpu.memory_space<vmem>> -> memref<80xi32, #tpu.memory_space<vmem>>
      %dma_wait3A_456 = arith.constant 0 : i32
      %dma_wait3A_457 = tpu.memref_slice %arg2[%dma_wait3A_444, %add3A, %add3A_428, %dma_wait3A_456] : memref<2x32x125x80xi32, #tpu.memory_space<hbm>> -> memref<1x1x1x80xi32, #tpu.memory_space<hbm>>
      %dma_wait3A_458 = tpu.memref_squeeze %dma_wait3A_457 : memref<1x1x1x80xi32, #tpu.memory_space<hbm>> -> memref<80xi32, #tpu.memory_space<hbm>>
      tpu.wait_dma2 semaphore(%arg17 : memref<!tpu.dma_semaphore, #tpu.memory_space<semaphore_mem>>) src(%dma_wait3A_458 : memref<80xi32, #tpu.memory_space<hbm>>) dst(%dma_wait3A_455 : memref<80xi32, #tpu.memory_space<vmem>>)
      %dma_start3A_459 = arith.constant 3 : i32
      %dma_start3A_460 = arith.constant 0 : i32
      %dma_start3A_461 = arith.constant 1 : i32
      %dma_start3A_462 = arith.constant 0 : i32
      %dma_start3A_463 = arith.constant 0 : i32
      %dma_start3A_464 = tpu.memref_slice %arg9[%dma_start3A_461, %dma_start3A_462, %dma_start3A_463] : memref<2x80x128xf32, #tpu.memory_space<vmem>> -> memref<1x80x128xf32, #tpu.memory_space<vmem>>
      %dma_start3A_465 = tpu.memref_squeeze %dma_start3A_464 : memref<1x80x128xf32, #tpu.memory_space<vmem>> -> memref<80x128xf32, #tpu.memory_space<vmem>>
      %dma_start3A_466 = arith.constant 0 : i32
      %dma_start3A_467 = tpu.memref_slice %arg8[%dma_start3A_459, %dma_start3A_460, %dma_start3A_466] : memref<4x2x80xi32, #tpu.memory_space<vmem>> -> memref<1x1x80xi32, #tpu.memory_space<vmem>>
      %dma_start3A_468 = tpu.memref_squeeze %dma_start3A_467 : memref<1x1x80xi32, #tpu.memory_space<vmem>> -> memref<80xi32, #tpu.memory_space<vmem>>
      %dma_start3A_469 = arith.constant 0 : i32
      %dma_start3A_470 = arith.constant 0 : i32
      %dma_start3A_471 = tpu.memref_slice %arg3[%dma_start3A_469, %dma_start3A_470] : memref<10000x128xf32, #tpu.memory_space<hbm>> -> memref<10000x128xf32, #tpu.memory_space<hbm>>
      tpu.enqueue_indirect_dma source(%dma_start3A_471 : memref<10000x128xf32, #tpu.memory_space<hbm>>) target(%dma_start3A_465 : memref<80x128xf32, #tpu.memory_space<vmem>>) offsets(%dma_start3A_468 : memref<80xi32, #tpu.memory_space<vmem>>) semaphore(%arg13 : memref<!tpu.dma_semaphore, #tpu.memory_space<semaphore_mem>>)
      %get3A_472 = arith.constant 3 : i32
      %get3A_473 = arith.constant 1 : i32
      %get3A_474 = arith.index_cast %get3A_472 : i32 to index
      %get3A_475 = arith.index_cast %get3A_473 : i32 to index
      %get3A_476 = arith.constant 0 : index
      %get3A_477 = tpu.vector_load %arg8[%get3A_474, %get3A_475, %get3A_476] {strides = array<i32>} : memref<4x2x80xi32, #tpu.memory_space<vmem>>, vector<16xi32>,
      tpu.vector_store_idx %arg10[%get3A_477], %broadcast_in_dim3A_1 {add = true} : memref<10240xf32, #tpu.memory_space<vmem>>[vector<16xi32>], vector<16xf32>,
      %get3A_478 = arith.constant 3 : i32
      %get3A_479 = arith.constant 1 : i32
      %get3A_480 = arith.index_cast %get3A_478 : i32 to index
      %get3A_481 = arith.index_cast %get3A_479 : i32 to index
      %get3A_482 = arith.constant 16 : index
      %get3A_483 = tpu.vector_load %arg8[%get3A_480, %get3A_481, %get3A_482] {strides = array<i32>} : memref<4x2x80xi32, #tpu.memory_space<vmem>>, vector<16xi32>,
      tpu.vector_store_idx %arg10[%get3A_483], %broadcast_in_dim3A_1 {add = true} : memref<10240xf32, #tpu.memory_space<vmem>>[vector<16xi32>], vector<16xf32>,
      %get3A_484 = arith.constant 3 : i32
      %get3A_485 = arith.constant 1 : i32
      %get3A_486 = arith.index_cast %get3A_484 : i32 to index
      %get3A_487 = arith.index_cast %get3A_485 : i32 to index
      %get3A_488 = arith.constant 32 : index
      %get3A_489 = tpu.vector_load %arg8[%get3A_486, %get3A_487, %get3A_488] {strides = array<i32>} : memref<4x2x80xi32, #tpu.memory_space<vmem>>, vector<16xi32>,
      tpu.vector_store_idx %arg10[%get3A_489], %broadcast_in_dim3A_1 {add = true} : memref<10240xf32, #tpu.memory_space<vmem>>[vector<16xi32>], vector<16xf32>,
      %get3A_490 = arith.constant 3 : i32
      %get3A_491 = arith.constant 1 : i32
      %get3A_492 = arith.index_cast %get3A_490 : i32 to index
      %get3A_493 = arith.index_cast %get3A_491 : i32 to index
      %get3A_494 = arith.constant 48 : index
      %get3A_495 = tpu.vector_load %arg8[%get3A_492, %get3A_493, %get3A_494] {strides = array<i32>} : memref<4x2x80xi32, #tpu.memory_space<vmem>>, vector<16xi32>,
      tpu.vector_store_idx %arg10[%get3A_495], %broadcast_in_dim3A_1 {add = true} : memref<10240xf32, #tpu.memory_space<vmem>>[vector<16xi32>], vector<16xf32>,
      %get3A_496 = arith.constant 3 : i32
      %get3A_497 = arith.constant 1 : i32
      %get3A_498 = arith.index_cast %get3A_496 : i32 to index
      %get3A_499 = arith.index_cast %get3A_497 : i32 to index
      %get3A_500 = arith.constant 64 : index
      %get3A_501 = tpu.vector_load %arg8[%get3A_498, %get3A_499, %get3A_500] {strides = array<i32>} : memref<4x2x80xi32, #tpu.memory_space<vmem>>, vector<16xi32>,
      tpu.vector_store_idx %arg10[%get3A_501], %broadcast_in_dim3A_1 {add = true} : memref<10240xf32, #tpu.memory_space<vmem>>[vector<16xi32>], vector<16xf32>,
      %add3A_502 = arith.constant 2 : i32
      %add3A_503 = arith.addi %mul3A_231, %add3A_502 : i32
      %dma_wait3A_504 = arith.constant 2 : i32
      %dma_wait3A_505 = arith.constant 0 : i32
      %dma_wait3A_506 = arith.constant 0 : i32
      %dma_wait3A_507 = arith.constant 0 : i32
      %dma_wait3A_508 = arith.constant 0 : i32
      %dma_wait3A_509 = tpu.memref_slice %arg9[%dma_wait3A_506, %dma_wait3A_507, %dma_wait3A_508] : memref<2x80x128xf32, #tpu.memory_space<vmem>> -> memref<1x80x128xf32, #tpu.memory_space<vmem>>
      %dma_wait3A_510 = tpu.memref_squeeze %dma_wait3A_509 : memref<1x80x128xf32, #tpu.memory_space<vmem>> -> memref<80x128xf32, #tpu.memory_space<vmem>>
      %dma_wait3A_511 = arith.constant 0 : i32
      %dma_wait3A_512 = tpu.memref_slice %arg8[%dma_wait3A_504, %dma_wait3A_505, %dma_wait3A_511] : memref<4x2x80xi32, #tpu.memory_space<vmem>> -> memref<1x1x80xi32, #tpu.memory_space<vmem>>
      %dma_wait3A_513 = tpu.memref_squeeze %dma_wait3A_512 : memref<1x1x80xi32, #tpu.memory_space<vmem>> -> memref<80xi32, #tpu.memory_space<vmem>>
      %dma_wait3A_514 = arith.constant 0 : i32
      %dma_wait3A_515 = arith.constant 0 : i32
      %dma_wait3A_516 = tpu.memref_slice %arg3[%dma_wait3A_514, %dma_wait3A_515] : memref<10000x128xf32, #tpu.memory_space<hbm>> -> memref<10000x128xf32, #tpu.memory_space<hbm>>
      tpu.wait_indirect_dma semaphore(%arg12 : memref<!tpu.dma_semaphore, #tpu.memory_space<semaphore_mem>>) src(%dma_wait3A_516 : memref<10000x128xf32, #tpu.memory_space<hbm>>) dst(%dma_wait3A_510 : memref<80x128xf32, #tpu.memory_space<vmem>>)
      %run_scoped3A_517 = arith.constant 0 : i32
      %run_scoped3A_518 = arith.constant 2 : i32
      %run_scoped3A_519 = arith.constant 1 : i32
      "tpu.region"() ({
        %run_scoped3A_627 = tpu.sem_alloc : memref<!tpu.dma_semaphore, #tpu.memory_space<semaphore_mem>>
        %dma_start3A_628 = arith.constant 0 : i32
        %dma_start3A_629 = arith.constant 0 : i32
        %dma_start3A_630 = tpu.memref_slice %arg9[%run_scoped3A_517, %dma_start3A_628, %dma_start3A_629] : memref<2x80x128xf32, #tpu.memory_space<vmem>> -> memref<1x80x128xf32, #tpu.memory_space<vmem>>
        %dma_start3A_631 = tpu.memref_squeeze %dma_start3A_630 : memref<1x80x128xf32, #tpu.memory_space<vmem>> -> memref<80x128xf32, #tpu.memory_space<vmem>>
        %dma_start3A_632 = arith.constant 0 : i32
        %dma_start3A_633 = tpu.memref_slice %arg8[%run_scoped3A_518, %run_scoped3A_519, %dma_start3A_632] : memref<4x2x80xi32, #tpu.memory_space<vmem>> -> memref<1x1x80xi32, #tpu.memory_space<vmem>>
        %dma_start3A_634 = tpu.memref_squeeze %dma_start3A_633 : memref<1x1x80xi32, #tpu.memory_space<vmem>> -> memref<80xi32, #tpu.memory_space<vmem>>
        %dma_start3A_635 = arith.constant 0 : i32
        %dma_start3A_636 = arith.constant 0 : i32
        %dma_start3A_637 = tpu.memref_slice %arg11[%dma_start3A_635, %dma_start3A_636] : memref<10240x128xf32, #tpu.memory_space<vmem_shared>> -> memref<10240x128xf32, #tpu.memory_space<vmem_shared>>
        tpu.enqueue_indirect_dma source(%dma_start3A_631 : memref<80x128xf32, #tpu.memory_space<vmem>>) target(%dma_start3A_637 : memref<10240x128xf32, #tpu.memory_space<vmem_shared>>) offsets(%dma_start3A_634 : memref<80xi32, #tpu.memory_space<vmem>>) semaphore(%run_scoped3A_627 : memref<!tpu.dma_semaphore, #tpu.memory_space<semaphore_mem>>) {add = true}
        %dma_wait3A_638 = arith.constant 0 : i32
        %dma_wait3A_639 = arith.constant 0 : i32
        %dma_wait3A_640 = tpu.memref_slice %arg9[%run_scoped3A_517, %dma_wait3A_638, %dma_wait3A_639] : memref<2x80x128xf32, #tpu.memory_space<vmem>> -> memref<1x80x128xf32, #tpu.memory_space<vmem>>
        %dma_wait3A_641 = tpu.memref_squeeze %dma_wait3A_640 : memref<1x80x128xf32, #tpu.memory_space<vmem>> -> memref<80x128xf32, #tpu.memory_space<vmem>>
        %dma_wait3A_642 = arith.constant 0 : i32
        %dma_wait3A_643 = tpu.memref_slice %arg8[%run_scoped3A_518, %run_scoped3A_519, %dma_wait3A_642] : memref<4x2x80xi32, #tpu.memory_space<vmem>> -> memref<1x1x80xi32, #tpu.memory_space<vmem>>
        %dma_wait3A_644 = tpu.memref_squeeze %dma_wait3A_643 : memref<1x1x80xi32, #tpu.memory_space<vmem>> -> memref<80xi32, #tpu.memory_space<vmem>>
        %dma_wait3A_645 = arith.constant 0 : i32
        %dma_wait3A_646 = arith.constant 0 : i32
        %dma_wait3A_647 = tpu.memref_slice %arg11[%dma_wait3A_645, %dma_wait3A_646] : memref<10240x128xf32, #tpu.memory_space<vmem_shared>> -> memref<10240x128xf32, #tpu.memory_space<vmem_shared>>
        tpu.wait_indirect_dma semaphore(%run_scoped3A_627 : memref<!tpu.dma_semaphore, #tpu.memory_space<semaphore_mem>>) src(%dma_wait3A_641 : memref<80x128xf32, #tpu.memory_space<vmem>>) dst(%dma_wait3A_647 : memref<10240x128xf32, #tpu.memory_space<vmem_shared>>)
        tpu.yield
      }) : () -> ()
      %add3A_520 = arith.constant 4 : i32
      %add3A_521 = arith.addi %add3A_503, %add3A_520 : i32
      %lt3A_522 = arith.constant 125 : i32
      %lt3A_523 = arith.cmpi slt, %add3A_521, %lt3A_522 : i32
      %convert_element_type3A_524 = arith.extui %lt3A_523 : i1 to i32
      %cond3A_525 = arith.constant 0 : i32
      %cond3A_526 = arith.cmpi ne, %convert_element_type3A_524, %cond3A_525 : i32
      scf.if %cond3A_526 {
        %add3A_627 = arith.constant 4 : i32
        %add3A_628 = arith.addi %add3A_503, %add3A_627 : i32
        %dma_start3A_629 = arith.constant 0 : i32
        %dma_start3A_630 = arith.constant 2 : i32
        %dma_start3A_631 = arith.constant 0 : i32
        %dma_start3A_632 = arith.constant 0 : i32
        %dma_start3A_633 = tpu.memref_slice %arg8[%dma_start3A_630, %dma_start3A_631, %dma_start3A_632] : memref<4x2x80xi32, #tpu.memory_space<vmem>> -> memref<1x1x80xi32, #tpu.memory_space<vmem>>
        %dma_start3A_634 = tpu.memref_squeeze %dma_start3A_633 : memref<1x1x80xi32, #tpu.memory_space<vmem>> -> memref<80xi32, #tpu.memory_space<vmem>>
        %dma_start3A_635 = arith.constant 0 : i32
        %dma_start3A_636 = tpu.memref_slice %arg2[%dma_start3A_629, %add3A, %add3A_628, %dma_start3A_635] : memref<2x32x125x80xi32, #tpu.memory_space<hbm>> -> memref<1x1x1x80xi32, #tpu.memory_space<hbm>>
        %dma_start3A_637 = tpu.memref_squeeze %dma_start3A_636 : memref<1x1x1x80xi32, #tpu.memory_space<hbm>> -> memref<80xi32, #tpu.memory_space<hbm>>
        %dma_start3A_638 = arith.constant 0 : i32
        %dma_start3A_639 = tpu.memref_slice %arg8[%dma_start3A_630, %dma_start3A_631, %dma_start3A_638] : memref<4x2x80xi32, #tpu.memory_space<vmem>> -> memref<1x1x80xi32, #tpu.memory_space<vmem>>
        %dma_start3A_640 = tpu.memref_squeeze %dma_start3A_639 : memref<1x1x80xi32, #tpu.memory_space<vmem>> -> memref<80xi32, #tpu.memory_space<vmem>>
        %dma_start3A_641 = arith.constant 0 : i32
        %dma_start3A_642 = tpu.memref_slice %arg2[%dma_start3A_629, %add3A, %add3A_628, %dma_start3A_641] : memref<2x32x125x80xi32, #tpu.memory_space<hbm>> -> memref<1x1x1x80xi32, #tpu.memory_space<hbm>>
        %dma_start3A_643 = tpu.memref_squeeze %dma_start3A_642 : memref<1x1x1x80xi32, #tpu.memory_space<hbm>> -> memref<80xi32, #tpu.memory_space<hbm>>
        tpu.enqueue_dma source(%dma_start3A_643 : memref<80xi32, #tpu.memory_space<hbm>>) target(%dma_start3A_640 : memref<80xi32, #tpu.memory_space<vmem>>) target_semaphore(%arg16 : memref<!tpu.dma_semaphore, #tpu.memory_space<semaphore_mem>>)
        %dma_start3A_644 = arith.constant 1 : i32
        %dma_start3A_645 = arith.constant 2 : i32
        %dma_start3A_646 = arith.constant 1 : i32
        %dma_start3A_647 = arith.constant 0 : i32
        %dma_start3A_648 = tpu.memref_slice %arg8[%dma_start3A_645, %dma_start3A_646, %dma_start3A_647] : memref<4x2x80xi32, #tpu.memory_space<vmem>> -> memref<1x1x80xi32, #tpu.memory_space<vmem>>
        %dma_start3A_649 = tpu.memref_squeeze %dma_start3A_648 : memref<1x1x80xi32, #tpu.memory_space<vmem>> -> memref<80xi32, #tpu.memory_space<vmem>>
        %dma_start3A_650 = arith.constant 0 : i32
        %dma_start3A_651 = tpu.memref_slice %arg2[%dma_start3A_644, %add3A, %add3A_628, %dma_start3A_650] : memref<2x32x125x80xi32, #tpu.memory_space<hbm>> -> memref<1x1x1x80xi32, #tpu.memory_space<hbm>>
        %dma_start3A_652 = tpu.memref_squeeze %dma_start3A_651 : memref<1x1x1x80xi32, #tpu.memory_space<hbm>> -> memref<80xi32, #tpu.memory_space<hbm>>
        %dma_start3A_653 = arith.constant 0 : i32
        %dma_start3A_654 = tpu.memref_slice %arg8[%dma_start3A_645, %dma_start3A_646, %dma_start3A_653] : memref<4x2x80xi32, #tpu.memory_space<vmem>> -> memref<1x1x80xi32, #tpu.memory_space<vmem>>
        %dma_start3A_655 = tpu.memref_squeeze %dma_start3A_654 : memref<1x1x80xi32, #tpu.memory_space<vmem>> -> memref<80xi32, #tpu.memory_space<vmem>>
        %dma_start3A_656 = arith.constant 0 : i32
        %dma_start3A_657 = tpu.memref_slice %arg2[%dma_start3A_644, %add3A, %add3A_628, %dma_start3A_656] : memref<2x32x125x80xi32, #tpu.memory_space<hbm>> -> memref<1x1x1x80xi32, #tpu.memory_space<hbm>>
        %dma_start3A_658 = tpu.memref_squeeze %dma_start3A_657 : memref<1x1x1x80xi32, #tpu.memory_space<hbm>> -> memref<80xi32, #tpu.memory_space<hbm>>
        tpu.enqueue_dma source(%dma_start3A_658 : memref<80xi32, #tpu.memory_space<hbm>>) target(%dma_start3A_655 : memref<80xi32, #tpu.memory_space<vmem>>) target_semaphore(%arg16 : memref<!tpu.dma_semaphore, #tpu.memory_space<semaphore_mem>>)
      } else {
      }
      %add3A_527 = arith.constant 4 : i32
      %add3A_528 = arith.addi %mul3A_231, %add3A_527 : i32
      %dma_wait3A_529 = arith.constant 0 : i32
      %dma_wait3A_530 = arith.constant 0 : i32
      %dma_wait3A_531 = arith.constant 0 : i32
      %dma_wait3A_532 = arith.constant 0 : i32
      %dma_wait3A_533 = tpu.memref_slice %arg8[%dma_wait3A_530, %dma_wait3A_531, %dma_wait3A_532] : memref<4x2x80xi32, #tpu.memory_space<vmem>> -> memref<1x1x80xi32, #tpu.memory_space<vmem>>
      %dma_wait3A_534 = tpu.memref_squeeze %dma_wait3A_533 : memref<1x1x80xi32, #tpu.memory_space<vmem>> -> memref<80xi32, #tpu.memory_space<vmem>>
      %dma_wait3A_535 = arith.constant 0 : i32
      %dma_wait3A_536 = tpu.memref_slice %arg2[%dma_wait3A_529, %add3A, %add3A_528, %dma_wait3A_535] : memref<2x32x125x80xi32, #tpu.memory_space<hbm>> -> memref<1x1x1x80xi32, #tpu.memory_space<hbm>>
      %dma_wait3A_537 = tpu.memref_squeeze %dma_wait3A_536 : memref<1x1x1x80xi32, #tpu.memory_space<hbm>> -> memref<80xi32, #tpu.memory_space<hbm>>
      %dma_wait3A_538 = arith.constant 0 : i32
      %dma_wait3A_539 = tpu.memref_slice %arg8[%dma_wait3A_530, %dma_wait3A_531, %dma_wait3A_538] : memref<4x2x80xi32, #tpu.memory_space<vmem>> -> memref<1x1x80xi32, #tpu.memory_space<vmem>>
      %dma_wait3A_540 = tpu.memref_squeeze %dma_wait3A_539 : memref<1x1x80xi32, #tpu.memory_space<vmem>> -> memref<80xi32, #tpu.memory_space<vmem>>
      %dma_wait3A_541 = arith.constant 0 : i32
      %dma_wait3A_542 = tpu.memref_slice %arg2[%dma_wait3A_529, %add3A, %add3A_528, %dma_wait3A_541] : memref<2x32x125x80xi32, #tpu.memory_space<hbm>> -> memref<1x1x1x80xi32, #tpu.memory_space<hbm>>
      %dma_wait3A_543 = tpu.memref_squeeze %dma_wait3A_542 : memref<1x1x1x80xi32, #tpu.memory_space<hbm>> -> memref<80xi32, #tpu.memory_space<hbm>>
      tpu.wait_dma2 semaphore(%arg14 : memref<!tpu.dma_semaphore, #tpu.memory_space<semaphore_mem>>) src(%dma_wait3A_543 : memref<80xi32, #tpu.memory_space<hbm>>) dst(%dma_wait3A_540 : memref<80xi32, #tpu.memory_space<vmem>>)
      %dma_wait3A_544 = arith.constant 1 : i32
      %dma_wait3A_545 = arith.constant 0 : i32
      %dma_wait3A_546 = arith.constant 1 : i32
      %dma_wait3A_547 = arith.constant 0 : i32
      %dma_wait3A_548 = tpu.memref_slice %arg8[%dma_wait3A_545, %dma_wait3A_546, %dma_wait3A_547] : memref<4x2x80xi32, #tpu.memory_space<vmem>> -> memref<1x1x80xi32, #tpu.memory_space<vmem>>
      %dma_wait3A_549 = tpu.memref_squeeze %dma_wait3A_548 : memref<1x1x80xi32, #tpu.memory_space<vmem>> -> memref<80xi32, #tpu.memory_space<vmem>>
      %dma_wait3A_550 = arith.constant 0 : i32
      %dma_wait3A_551 = tpu.memref_slice %arg2[%dma_wait3A_544, %add3A, %add3A_528, %dma_wait3A_550] : memref<2x32x125x80xi32, #tpu.memory_space<hbm>> -> memref<1x1x1x80xi32, #tpu.memory_space<hbm>>
      %dma_wait3A_552 = tpu.memref_squeeze %dma_wait3A_551 : memref<1x1x1x80xi32, #tpu.memory_space<hbm>> -> memref<80xi32, #tpu.memory_space<hbm>>
      %dma_wait3A_553 = arith.constant 0 : i32
      %dma_wait3A_554 = tpu.memref_slice %arg8[%dma_wait3A_545, %dma_wait3A_546, %dma_wait3A_553] : memref<4x2x80xi32, #tpu.memory_space<vmem>> -> memref<1x1x80xi32, #tpu.memory_space<vmem>>
      %dma_wait3A_555 = tpu.memref_squeeze %dma_wait3A_554 : memref<1x1x80xi32, #tpu.memory_space<vmem>> -> memref<80xi32, #tpu.memory_space<vmem>>
      %dma_wait3A_556 = arith.constant 0 : i32
      %dma_wait3A_557 = tpu.memref_slice %arg2[%dma_wait3A_544, %add3A, %add3A_528, %dma_wait3A_556] : memref<2x32x125x80xi32, #tpu.memory_space<hbm>> -> memref<1x1x1x80xi32, #tpu.memory_space<hbm>>
      %dma_wait3A_558 = tpu.memref_squeeze %dma_wait3A_557 : memref<1x1x1x80xi32, #tpu.memory_space<hbm>> -> memref<80xi32, #tpu.memory_space<hbm>>
      tpu.wait_dma2 semaphore(%arg14 : memref<!tpu.dma_semaphore, #tpu.memory_space<semaphore_mem>>) src(%dma_wait3A_558 : memref<80xi32, #tpu.memory_space<hbm>>) dst(%dma_wait3A_555 : memref<80xi32, #tpu.memory_space<vmem>>)
      %dma_start3A_559 = arith.constant 0 : i32
      %dma_start3A_560 = arith.constant 0 : i32
      %dma_start3A_561 = arith.constant 0 : i32
      %dma_start3A_562 = arith.constant 0 : i32
      %dma_start3A_563 = arith.constant 0 : i32
      %dma_start3A_564 = tpu.memref_slice %arg9[%dma_start3A_561, %dma_start3A_562, %dma_start3A_563] : memref<2x80x128xf32, #tpu.memory_space<vmem>> -> memref<1x80x128xf32, #tpu.memory_space<vmem>>
      %dma_start3A_565 = tpu.memref_squeeze %dma_start3A_564 : memref<1x80x128xf32, #tpu.memory_space<vmem>> -> memref<80x128xf32, #tpu.memory_space<vmem>>
      %dma_start3A_566 = arith.constant 0 : i32
      %dma_start3A_567 = tpu.memref_slice %arg8[%dma_start3A_559, %dma_start3A_560, %dma_start3A_566] : memref<4x2x80xi32, #tpu.memory_space<vmem>> -> memref<1x1x80xi32, #tpu.memory_space<vmem>>
      %dma_start3A_568 = tpu.memref_squeeze %dma_start3A_567 : memref<1x1x80xi32, #tpu.memory_space<vmem>> -> memref<80xi32, #tpu.memory_space<vmem>>
      %dma_start3A_569 = arith.constant 0 : i32
      %dma_start3A_570 = arith.constant 0 : i32
      %dma_start3A_571 = tpu.memref_slice %arg3[%dma_start3A_569, %dma_start3A_570] : memref<10000x128xf32, #tpu.memory_space<hbm>> -> memref<10000x128xf32, #tpu.memory_space<hbm>>
      tpu.enqueue_indirect_dma source(%dma_start3A_571 : memref<10000x128xf32, #tpu.memory_space<hbm>>) target(%dma_start3A_565 : memref<80x128xf32, #tpu.memory_space<vmem>>) offsets(%dma_start3A_568 : memref<80xi32, #tpu.memory_space<vmem>>) semaphore(%arg12 : memref<!tpu.dma_semaphore, #tpu.memory_space<semaphore_mem>>)
      %get3A_572 = arith.constant 0 : i32
      %get3A_573 = arith.constant 1 : i32
      %get3A_574 = arith.index_cast %get3A_572 : i32 to index
      %get3A_575 = arith.index_cast %get3A_573 : i32 to index
      %get3A_576 = arith.constant 0 : index
      %get3A_577 = tpu.vector_load %arg8[%get3A_574, %get3A_575, %get3A_576] {strides = array<i32>} : memref<4x2x80xi32, #tpu.memory_space<vmem>>, vector<16xi32>,
      tpu.vector_store_idx %arg10[%get3A_577], %broadcast_in_dim3A_1 {add = true} : memref<10240xf32, #tpu.memory_space<vmem>>[vector<16xi32>], vector<16xf32>,
      %get3A_578 = arith.constant 0 : i32
      %get3A_579 = arith.constant 1 : i32
      %get3A_580 = arith.index_cast %get3A_578 : i32 to index
      %get3A_581 = arith.index_cast %get3A_579 : i32 to index
      %get3A_582 = arith.constant 16 : index
      %get3A_583 = tpu.vector_load %arg8[%get3A_580, %get3A_581, %get3A_582] {strides = array<i32>} : memref<4x2x80xi32, #tpu.memory_space<vmem>>, vector<16xi32>,
      tpu.vector_store_idx %arg10[%get3A_583], %broadcast_in_dim3A_1 {add = true} : memref<10240xf32, #tpu.memory_space<vmem>>[vector<16xi32>], vector<16xf32>,
      %get3A_584 = arith.constant 0 : i32
      %get3A_585 = arith.constant 1 : i32
      %get3A_586 = arith.index_cast %get3A_584 : i32 to index
      %get3A_587 = arith.index_cast %get3A_585 : i32 to index
      %get3A_588 = arith.constant 32 : index
      %get3A_589 = tpu.vector_load %arg8[%get3A_586, %get3A_587, %get3A_588] {strides = array<i32>} : memref<4x2x80xi32, #tpu.memory_space<vmem>>, vector<16xi32>,
      tpu.vector_store_idx %arg10[%get3A_589], %broadcast_in_dim3A_1 {add = true} : memref<10240xf32, #tpu.memory_space<vmem>>[vector<16xi32>], vector<16xf32>,
      %get3A_590 = arith.constant 0 : i32
      %get3A_591 = arith.constant 1 : i32
      %get3A_592 = arith.index_cast %get3A_590 : i32 to index
      %get3A_593 = arith.index_cast %get3A_591 : i32 to index
      %get3A_594 = arith.constant 48 : index
      %get3A_595 = tpu.vector_load %arg8[%get3A_592, %get3A_593, %get3A_594] {strides = array<i32>} : memref<4x2x80xi32, #tpu.memory_space<vmem>>, vector<16xi32>,
      tpu.vector_store_idx %arg10[%get3A_595], %broadcast_in_dim3A_1 {add = true} : memref<10240xf32, #tpu.memory_space<vmem>>[vector<16xi32>], vector<16xf32>,
      %get3A_596 = arith.constant 0 : i32
      %get3A_597 = arith.constant 1 : i32
      %get3A_598 = arith.index_cast %get3A_596 : i32 to index
      %get3A_599 = arith.index_cast %get3A_597 : i32 to index
      %get3A_600 = arith.constant 64 : index
      %get3A_601 = tpu.vector_load %arg8[%get3A_598, %get3A_599, %get3A_600] {strides = array<i32>} : memref<4x2x80xi32, #tpu.memory_space<vmem>>, vector<16xi32>,
      tpu.vector_store_idx %arg10[%get3A_601], %broadcast_in_dim3A_1 {add = true} : memref<10240xf32, #tpu.memory_space<vmem>>[vector<16xi32>], vector<16xf32>,
      %add3A_602 = arith.constant 3 : i32
      %add3A_603 = arith.addi %mul3A_231, %add3A_602 : i32
      %dma_wait3A_604 = arith.constant 3 : i32
      %dma_wait3A_605 = arith.constant 0 : i32
      %dma_wait3A_606 = arith.constant 1 : i32
      %dma_wait3A_607 = arith.constant 0 : i32
      %dma_wait3A_608 = arith.constant 0 : i32
      %dma_wait3A_609 = tpu.memref_slice %arg9[%dma_wait3A_606, %dma_wait3A_607, %dma_wait3A_608] : memref<2x80x128xf32, #tpu.memory_space<vmem>> -> memref<1x80x128xf32, #tpu.memory_space<vmem>>
      %dma_wait3A_610 = tpu.memref_squeeze %dma_wait3A_609 : memref<1x80x128xf32, #tpu.memory_space<vmem>> -> memref<80x128xf32, #tpu.memory_space<vmem>>
      %dma_wait3A_611 = arith.constant 0 : i32
      %dma_wait3A_612 = tpu.memref_slice %arg8[%dma_wait3A_604, %dma_wait3A_605, %dma_wait3A_611] : memref<4x2x80xi32, #tpu.memory_space<vmem>> -> memref<1x1x80xi32, #tpu.memory_space<vmem>>
      %dma_wait3A_613 = tpu.memref_squeeze %dma_wait3A_612 : memref<1x1x80xi32, #tpu.memory_space<vmem>> -> memref<80xi32, #tpu.memory_space<vmem>>
      %dma_wait3A_614 = arith.constant 0 : i32
      %dma_wait3A_615 = arith.constant 0 : i32
      %dma_wait3A_616 = tpu.memref_slice %arg3[%dma_wait3A_614, %dma_wait3A_615] : memref<10000x128xf32, #tpu.memory_space<hbm>> -> memref<10000x128xf32, #tpu.memory_space<hbm>>
      tpu.wait_indirect_dma semaphore(%arg13 : memref<!tpu.dma_semaphore, #tpu.memory_space<semaphore_mem>>) src(%dma_wait3A_616 : memref<10000x128xf32, #tpu.memory_space<hbm>>) dst(%dma_wait3A_610 : memref<80x128xf32, #tpu.memory_space<vmem>>)
      %run_scoped3A_617 = arith.constant 1 : i32
      %run_scoped3A_618 = arith.constant 3 : i32
      %run_scoped3A_619 = arith.constant 1 : i32
      "tpu.region"() ({
        %run_scoped3A_627 = tpu.sem_alloc : memref<!tpu.dma_semaphore, #tpu.memory_space<semaphore_mem>>
        %dma_start3A_628 = arith.constant 0 : i32
        %dma_start3A_629 = arith.constant 0 : i32
        %dma_start3A_630 = tpu.memref_slice %arg9[%run_scoped3A_617, %dma_start3A_628, %dma_start3A_629] : memref<2x80x128xf32, #tpu.memory_space<vmem>> -> memref<1x80x128xf32, #tpu.memory_space<vmem>>
        %dma_start3A_631 = tpu.memref_squeeze %dma_start3A_630 : memref<1x80x128xf32, #tpu.memory_space<vmem>> -> memref<80x128xf32, #tpu.memory_space<vmem>>
        %dma_start3A_632 = arith.constant 0 : i32
        %dma_start3A_633 = tpu.memref_slice %arg8[%run_scoped3A_618, %run_scoped3A_619, %dma_start3A_632] : memref<4x2x80xi32, #tpu.memory_space<vmem>> -> memref<1x1x80xi32, #tpu.memory_space<vmem>>
        %dma_start3A_634 = tpu.memref_squeeze %dma_start3A_633 : memref<1x1x80xi32, #tpu.memory_space<vmem>> -> memref<80xi32, #tpu.memory_space<vmem>>
        %dma_start3A_635 = arith.constant 0 : i32
        %dma_start3A_636 = arith.constant 0 : i32
        %dma_start3A_637 = tpu.memref_slice %arg11[%dma_start3A_635, %dma_start3A_636] : memref<10240x128xf32, #tpu.memory_space<vmem_shared>> -> memref<10240x128xf32, #tpu.memory_space<vmem_shared>>
        tpu.enqueue_indirect_dma source(%dma_start3A_631 : memref<80x128xf32, #tpu.memory_space<vmem>>) target(%dma_start3A_637 : memref<10240x128xf32, #tpu.memory_space<vmem_shared>>) offsets(%dma_start3A_634 : memref<80xi32, #tpu.memory_space<vmem>>) semaphore(%run_scoped3A_627 : memref<!tpu.dma_semaphore, #tpu.memory_space<semaphore_mem>>) {add = true}
        %dma_wait3A_638 = arith.constant 0 : i32
        %dma_wait3A_639 = arith.constant 0 : i32
        %dma_wait3A_640 = tpu.memref_slice %arg9[%run_scoped3A_617, %dma_wait3A_638, %dma_wait3A_639] : memref<2x80x128xf32, #tpu.memory_space<vmem>> -> memref<1x80x128xf32, #tpu.memory_space<vmem>>
        %dma_wait3A_641 = tpu.memref_squeeze %dma_wait3A_640 : memref<1x80x128xf32, #tpu.memory_space<vmem>> -> memref<80x128xf32, #tpu.memory_space<vmem>>
        %dma_wait3A_642 = arith.constant 0 : i32
        %dma_wait3A_643 = tpu.memref_slice %arg8[%run_scoped3A_618, %run_scoped3A_619, %dma_wait3A_642] : memref<4x2x80xi32, #tpu.memory_space<vmem>> -> memref<1x1x80xi32, #tpu.memory_space<vmem>>
        %dma_wait3A_644 = tpu.memref_squeeze %dma_wait3A_643 : memref<1x1x80xi32, #tpu.memory_space<vmem>> -> memref<80xi32, #tpu.memory_space<vmem>>
        %dma_wait3A_645 = arith.constant 0 : i32
        %dma_wait3A_646 = arith.constant 0 : i32
        %dma_wait3A_647 = tpu.memref_slice %arg11[%dma_wait3A_645, %dma_wait3A_646] : memref<10240x128xf32, #tpu.memory_space<vmem_shared>> -> memref<10240x128xf32, #tpu.memory_space<vmem_shared>>
        tpu.wait_indirect_dma semaphore(%run_scoped3A_627 : memref<!tpu.dma_semaphore, #tpu.memory_space<semaphore_mem>>) src(%dma_wait3A_641 : memref<80x128xf32, #tpu.memory_space<vmem>>) dst(%dma_wait3A_647 : memref<10240x128xf32, #tpu.memory_space<vmem_shared>>)
        tpu.yield
      }) : () -> ()
      %add3A_620 = arith.constant 4 : i32
      %add3A_621 = arith.addi %add3A_603, %add3A_620 : i32
      %lt3A_622 = arith.constant 125 : i32
      %lt3A_623 = arith.cmpi slt, %add3A_621, %lt3A_622 : i32
      %convert_element_type3A_624 = arith.extui %lt3A_623 : i1 to i32
      %cond3A_625 = arith.constant 0 : i32
      %cond3A_626 = arith.cmpi ne, %convert_element_type3A_624, %cond3A_625 : i32
      scf.if %cond3A_626 {
        %add3A_627 = arith.constant 4 : i32
        %add3A_628 = arith.addi %add3A_603, %add3A_627 : i32
        %dma_start3A_629 = arith.constant 0 : i32
        %dma_start3A_630 = arith.constant 3 : i32
        %dma_start3A_631 = arith.constant 0 : i32
        %dma_start3A_632 = arith.constant 0 : i32
        %dma_start3A_633 = tpu.memref_slice %arg8[%dma_start3A_630, %dma_start3A_631, %dma_start3A_632] : memref<4x2x80xi32, #tpu.memory_space<vmem>> -> memref<1x1x80xi32, #tpu.memory_space<vmem>>
        %dma_start3A_634 = tpu.memref_squeeze %dma_start3A_633 : memref<1x1x80xi32, #tpu.memory_space<vmem>> -> memref<80xi32, #tpu.memory_space<vmem>>
        %dma_start3A_635 = arith.constant 0 : i32
        %dma_start3A_636 = tpu.memref_slice %arg2[%dma_start3A_629, %add3A, %add3A_628, %dma_start3A_635] : memref<2x32x125x80xi32, #tpu.memory_space<hbm>> -> memref<1x1x1x80xi32, #tpu.memory_space<hbm>>
        %dma_start3A_637 = tpu.memref_squeeze %dma_start3A_636 : memref<1x1x1x80xi32, #tpu.memory_space<hbm>> -> memref<80xi32, #tpu.memory_space<hbm>>
        %dma_start3A_638 = arith.constant 0 : i32
        %dma_start3A_639 = tpu.memref_slice %arg8[%dma_start3A_630, %dma_start3A_631, %dma_start3A_638] : memref<4x2x80xi32, #tpu.memory_space<vmem>> -> memref<1x1x80xi32, #tpu.memory_space<vmem>>
        %dma_start3A_640 = tpu.memref_squeeze %dma_start3A_639 : memref<1x1x80xi32, #tpu.memory_space<vmem>> -> memref<80xi32, #tpu.memory_space<vmem>>
        %dma_start3A_641 = arith.constant 0 : i32
        %dma_start3A_642 = tpu.memref_slice %arg2[%dma_start3A_629, %add3A, %add3A_628, %dma_start3A_641] : memref<2x32x125x80xi32, #tpu.memory_space<hbm>> -> memref<1x1x1x80xi32, #tpu.memory_space<hbm>>
        %dma_start3A_643 = tpu.memref_squeeze %dma_start3A_642 : memref<1x1x1x80xi32, #tpu.memory_space<hbm>> -> memref<80xi32, #tpu.memory_space<hbm>>
        tpu.enqueue_dma source(%dma_start3A_643 : memref<80xi32, #tpu.memory_space<hbm>>) target(%dma_start3A_640 : memref<80xi32, #tpu.memory_space<vmem>>) target_semaphore(%arg17 : memref<!tpu.dma_semaphore, #tpu.memory_space<semaphore_mem>>)
        %dma_start3A_644 = arith.constant 1 : i32
        %dma_start3A_645 = arith.constant 3 : i32
        %dma_start3A_646 = arith.constant 1 : i32
        %dma_start3A_647 = arith.constant 0 : i32
        %dma_start3A_648 = tpu.memref_slice %arg8[%dma_start3A_645, %dma_start3A_646, %dma_start3A_647] : memref<4x2x80xi32, #tpu.memory_space<vmem>> -> memref<1x1x80xi32, #tpu.memory_space<vmem>>
        %dma_start3A_649 = tpu.memref_squeeze %dma_start3A_648 : memref<1x1x80xi32, #tpu.memory_space<vmem>> -> memref<80xi32, #tpu.memory_space<vmem>>
        %dma_start3A_650 = arith.constant 0 : i32
        %dma_start3A_651 = tpu.memref_slice %arg2[%dma_start3A_644, %add3A, %add3A_628, %dma_start3A_650] : memref<2x32x125x80xi32, #tpu.memory_space<hbm>> -> memref<1x1x1x80xi32, #tpu.memory_space<hbm>>
        %dma_start3A_652 = tpu.memref_squeeze %dma_start3A_651 : memref<1x1x1x80xi32, #tpu.memory_space<hbm>> -> memref<80xi32, #tpu.memory_space<hbm>>
        %dma_start3A_653 = arith.constant 0 : i32
        %dma_start3A_654 = tpu.memref_slice %arg8[%dma_start3A_645, %dma_start3A_646, %dma_start3A_653] : memref<4x2x80xi32, #tpu.memory_space<vmem>> -> memref<1x1x80xi32, #tpu.memory_space<vmem>>
        %dma_start3A_655 = tpu.memref_squeeze %dma_start3A_654 : memref<1x1x80xi32, #tpu.memory_space<vmem>> -> memref<80xi32, #tpu.memory_space<vmem>>
        %dma_start3A_656 = arith.constant 0 : i32
        %dma_start3A_657 = tpu.memref_slice %arg2[%dma_start3A_644, %add3A, %add3A_628, %dma_start3A_656] : memref<2x32x125x80xi32, #tpu.memory_space<hbm>> -> memref<1x1x1x80xi32, #tpu.memory_space<hbm>>
        %dma_start3A_658 = tpu.memref_squeeze %dma_start3A_657 : memref<1x1x1x80xi32, #tpu.memory_space<hbm>> -> memref<80xi32, #tpu.memory_space<hbm>>
        tpu.enqueue_dma source(%dma_start3A_658 : memref<80xi32, #tpu.memory_space<hbm>>) target(%dma_start3A_655 : memref<80xi32, #tpu.memory_space<vmem>>) target_semaphore(%arg17 : memref<!tpu.dma_semaphore, #tpu.memory_space<semaphore_mem>>)
      } else {
      }
    }
    %scan3A_208 = arith.constant 31 : i32
    %dma_wait3A_209 = arith.constant 0 : i32
    %dma_wait3A_210 = arith.constant 0 : i32
    %dma_wait3A_211 = arith.constant 0 : i32
    %dma_wait3A_212 = arith.constant 0 : i32
    %dma_wait3A_213 = arith.constant 0 : i32
    %dma_wait3A_214 = tpu.memref_slice %arg9[%dma_wait3A_211, %dma_wait3A_212, %dma_wait3A_213] : memref<2x80x128xf32, #tpu.memory_space<vmem>> -> memref<1x80x128xf32, #tpu.memory_space<vmem>>
    %dma_wait3A_215 = tpu.memref_squeeze %dma_wait3A_214 : memref<1x80x128xf32, #tpu.memory_space<vmem>> -> memref<80x128xf32, #tpu.memory_space<vmem>>
    %dma_wait3A_216 = arith.constant 0 : i32
    %dma_wait3A_217 = tpu.memref_slice %arg8[%dma_wait3A_209, %dma_wait3A_210, %dma_wait3A_216] : memref<4x2x80xi32, #tpu.memory_space<vmem>> -> memref<1x1x80xi32, #tpu.memory_space<vmem>>
    %dma_wait3A_218 = tpu.memref_squeeze %dma_wait3A_217 : memref<1x1x80xi32, #tpu.memory_space<vmem>> -> memref<80xi32, #tpu.memory_space<vmem>>
    %dma_wait3A_219 = arith.constant 0 : i32
    %dma_wait3A_220 = arith.constant 0 : i32
    %dma_wait3A_221 = tpu.memref_slice %arg3[%dma_wait3A_219, %dma_wait3A_220] : memref<10000x128xf32, #tpu.memory_space<hbm>> -> memref<10000x128xf32, #tpu.memory_space<hbm>>
    tpu.wait_indirect_dma semaphore(%arg12 : memref<!tpu.dma_semaphore, #tpu.memory_space<semaphore_mem>>) src(%dma_wait3A_221 : memref<10000x128xf32, #tpu.memory_space<hbm>>) dst(%dma_wait3A_215 : memref<80x128xf32, #tpu.memory_space<vmem>>)
    %run_scoped3A = arith.constant 0 : i32
    %run_scoped3A_222 = arith.constant 0 : i32
    %run_scoped3A_223 = arith.constant 1 : i32
    "tpu.region"() ({
      %run_scoped3A_229 = tpu.sem_alloc : memref<!tpu.dma_semaphore, #tpu.memory_space<semaphore_mem>>
      %dma_start3A_230 = arith.constant 0 : i32
      %dma_start3A_231 = arith.constant 0 : i32
      %dma_start3A_232 = tpu.memref_slice %arg9[%run_scoped3A, %dma_start3A_230, %dma_start3A_231] : memref<2x80x128xf32, #tpu.memory_space<vmem>> -> memref<1x80x128xf32, #tpu.memory_space<vmem>>
      %dma_start3A_233 = tpu.memref_squeeze %dma_start3A_232 : memref<1x80x128xf32, #tpu.memory_space<vmem>> -> memref<80x128xf32, #tpu.memory_space<vmem>>
      %dma_start3A_234 = arith.constant 0 : i32
      %dma_start3A_235 = tpu.memref_slice %arg8[%run_scoped3A_222, %run_scoped3A_223, %dma_start3A_234] : memref<4x2x80xi32, #tpu.memory_space<vmem>> -> memref<1x1x80xi32, #tpu.memory_space<vmem>>
      %dma_start3A_236 = tpu.memref_squeeze %dma_start3A_235 : memref<1x1x80xi32, #tpu.memory_space<vmem>> -> memref<80xi32, #tpu.memory_space<vmem>>
      %dma_start3A_237 = arith.constant 0 : i32
      %dma_start3A_238 = arith.constant 0 : i32
      %dma_start3A_239 = tpu.memref_slice %arg11[%dma_start3A_237, %dma_start3A_238] : memref<10240x128xf32, #tpu.memory_space<vmem_shared>> -> memref<10240x128xf32, #tpu.memory_space<vmem_shared>>
      tpu.enqueue_indirect_dma source(%dma_start3A_233 : memref<80x128xf32, #tpu.memory_space<vmem>>) target(%dma_start3A_239 : memref<10240x128xf32, #tpu.memory_space<vmem_shared>>) offsets(%dma_start3A_236 : memref<80xi32, #tpu.memory_space<vmem>>) semaphore(%run_scoped3A_229 : memref<!tpu.dma_semaphore, #tpu.memory_space<semaphore_mem>>) {add = true}
      %dma_wait3A_240 = arith.constant 0 : i32
      %dma_wait3A_241 = arith.constant 0 : i32
      %dma_wait3A_242 = tpu.memref_slice %arg9[%run_scoped3A, %dma_wait3A_240, %dma_wait3A_241] : memref<2x80x128xf32, #tpu.memory_space<vmem>> -> memref<1x80x128xf32, #tpu.memory_space<vmem>>
      %dma_wait3A_243 = tpu.memref_squeeze %dma_wait3A_242 : memref<1x80x128xf32, #tpu.memory_space<vmem>> -> memref<80x128xf32, #tpu.memory_space<vmem>>
      %dma_wait3A_244 = arith.constant 0 : i32
      %dma_wait3A_245 = tpu.memref_slice %arg8[%run_scoped3A_222, %run_scoped3A_223, %dma_wait3A_244] : memref<4x2x80xi32, #tpu.memory_space<vmem>> -> memref<1x1x80xi32, #tpu.memory_space<vmem>>
      %dma_wait3A_246 = tpu.memref_squeeze %dma_wait3A_245 : memref<1x1x80xi32, #tpu.memory_space<vmem>> -> memref<80xi32, #tpu.memory_space<vmem>>
      %dma_wait3A_247 = arith.constant 0 : i32
      %dma_wait3A_248 = arith.constant 0 : i32
      %dma_wait3A_249 = tpu.memref_slice %arg11[%dma_wait3A_247, %dma_wait3A_248] : memref<10240x128xf32, #tpu.memory_space<vmem_shared>> -> memref<10240x128xf32, #tpu.memory_space<vmem_shared>>
      tpu.wait_indirect_dma semaphore(%run_scoped3A_229 : memref<!tpu.dma_semaphore, #tpu.memory_space<semaphore_mem>>) src(%dma_wait3A_243 : memref<80x128xf32, #tpu.memory_space<vmem>>) dst(%dma_wait3A_249 : memref<10240x128xf32, #tpu.memory_space<vmem_shared>>)
      tpu.yield
    }) : () -> ()
    "tpu.region"() ({
      %run_scoped3A_229 = tpu.sem_alloc : memref<!tpu.dma_semaphore, #tpu.memory_space<semaphore_mem>>
      %dma_start3A_230 = arith.constant 0 : i32
      %dma_start3A_231 = tpu.memref_slice %arg7[%add3A, %dma_start3A_230] : memref<32x10240xf32, #tpu.memory_space<hbm>> -> memref<1x10240xf32, #tpu.memory_space<hbm>>
      %dma_start3A_232 = tpu.memref_squeeze %dma_start3A_231 : memref<1x10240xf32, #tpu.memory_space<hbm>> -> memref<10240xf32, #tpu.memory_space<hbm>>
      %dma_start3A_233 = arith.constant 0 : i32
      %dma_start3A_234 = tpu.memref_slice %arg7[%add3A, %dma_start3A_233] : memref<32x10240xf32, #tpu.memory_space<hbm>> -> memref<1x10240xf32, #tpu.memory_space<hbm>>
      %dma_start3A_235 = tpu.memref_squeeze %dma_start3A_234 : memref<1x10240xf32, #tpu.memory_space<hbm>> -> memref<10240xf32, #tpu.memory_space<hbm>>
      tpu.enqueue_dma source(%arg10 : memref<10240xf32, #tpu.memory_space<vmem>>) target(%dma_start3A_235 : memref<10240xf32, #tpu.memory_space<hbm>>) target_semaphore(%run_scoped3A_229 : memref<!tpu.dma_semaphore, #tpu.memory_space<semaphore_mem>>)
      %dma_wait3A_236 = arith.constant 0 : i32
      %dma_wait3A_237 = tpu.memref_slice %arg7[%add3A, %dma_wait3A_236] : memref<32x10240xf32, #tpu.memory_space<hbm>> -> memref<1x10240xf32, #tpu.memory_space<hbm>>
      %dma_wait3A_238 = tpu.memref_squeeze %dma_wait3A_237 : memref<1x10240xf32, #tpu.memory_space<hbm>> -> memref<10240xf32, #tpu.memory_space<hbm>>
      %dma_wait3A_239 = arith.constant 0 : i32
      %dma_wait3A_240 = tpu.memref_slice %arg7[%add3A, %dma_wait3A_239] : memref<32x10240xf32, #tpu.memory_space<hbm>> -> memref<1x10240xf32, #tpu.memory_space<hbm>>
      %dma_wait3A_241 = tpu.memref_squeeze %dma_wait3A_240 : memref<1x10240xf32, #tpu.memory_space<hbm>> -> memref<10240xf32, #tpu.memory_space<hbm>>
      tpu.wait_dma2 semaphore(%run_scoped3A_229 : memref<!tpu.dma_semaphore, #tpu.memory_space<semaphore_mem>>) src(%arg10 : memref<10240xf32, #tpu.memory_space<vmem>>) dst(%dma_wait3A_241 : memref<10240xf32, #tpu.memory_space<hbm>>)
      tpu.yield
    }) : () -> ()
    %barrier3A_224 = arith.constant 0 : index
    tpu.barrier barrier_id(%barrier3A_224)
    %mul3A_225 = arith.constant 640 : i32
    %mul3A_226 = arith.muli %arg1, %mul3A_225 : i32
    %mul3A_227 = arith.constant 640 : i32
    %mul3A_228 = arith.muli %arg1, %mul3A_227 : i32
    "tpu.region"() ({
      %run_scoped3A_229 = tpu.sem_alloc : memref<!tpu.dma_semaphore, #tpu.memory_space<semaphore_mem>>
      %dma_start3A_230 = arith.constant 0 : i32
      %dma_start3A_231 = tpu.memref_slice %arg6[%arg0, %mul3A_228, %dma_start3A_230] : memref<2x10240x128xf32, #tpu.memory_space<hbm>> -> memref<1x640x128xf32, #tpu.memory_space<hbm>>
      %dma_start3A_232 = tpu.memref_squeeze %dma_start3A_231 : memref<1x640x128xf32, #tpu.memory_space<hbm>> -> memref<640x128xf32, #tpu.memory_space<hbm>>
      %dma_start3A_233 = arith.constant 0 : i32
      %dma_start3A_234 = tpu.memref_slice %arg11[%mul3A_226, %dma_start3A_233] : memref<10240x128xf32, #tpu.memory_space<vmem_shared>> -> memref<640x128xf32, #tpu.memory_space<vmem_shared>>
      tpu.enqueue_dma source(%dma_start3A_234 : memref<640x128xf32, #tpu.memory_space<vmem_shared>>) target(%dma_start3A_232 : memref<640x128xf32, #tpu.memory_space<hbm>>) target_semaphore(%run_scoped3A_229 : memref<!tpu.dma_semaphore, #tpu.memory_space<semaphore_mem>>)
      %dma_wait3A_235 = arith.constant 0 : i32
      %dma_wait3A_236 = tpu.memref_slice %arg6[%arg0, %mul3A_228, %dma_wait3A_235] : memref<2x10240x128xf32, #tpu.memory_space<hbm>> -> memref<1x640x128xf32, #tpu.memory_space<hbm>>
      %dma_wait3A_237 = tpu.memref_squeeze %dma_wait3A_236 : memref<1x640x128xf32, #tpu.memory_space<hbm>> -> memref<640x128xf32, #tpu.memory_space<hbm>>
      %dma_wait3A_238 = arith.constant 0 : i32
      %dma_wait3A_239 = tpu.memref_slice %arg11[%mul3A_226, %dma_wait3A_238] : memref<10240x128xf32, #tpu.memory_space<vmem_shared>> -> memref<640x128xf32, #tpu.memory_space<vmem_shared>>
      tpu.wait_dma2 semaphore(%run_scoped3A_229 : memref<!tpu.dma_semaphore, #tpu.memory_space<semaphore_mem>>) src(%dma_wait3A_239 : memref<640x128xf32, #tpu.memory_space<vmem_shared>>) dst(%dma_wait3A_237 : memref<640x128xf32, #tpu.memory_space<hbm>>)
      tpu.yield
    }) : () -> ()
    return
  }
}

module attributes {stable_mosaic.version = 14 : i64} {
  func.func @_tc_epilogue(%arg0: memref<6000x128xf32, #tpu.memory_space<vmem>>, %arg1: memref<4000x128xf32, #tpu.memory_space<vmem>>, %arg2: memref<2x10240x128xf32, #tpu.memory_space<vmem>>, %arg3: memref<32x10240xf32, #tpu.memory_space<vmem>>, %arg4: memref<128x128xf32, #tpu.memory_space<vmem>>, %arg5: memref<1x1xf32, #tpu.memory_space<smem>>, %arg6: memref<6000x128xf32, #tpu.memory_space<vmem>>, %arg7: memref<4000x128xf32, #tpu.memory_space<vmem>>) attributes {dimension_semantics = [], scalar_prefetch = 0 : i64, scratch_operands = 0 : i64, tpu.core_type = #tpu.core_type<tc>} {
    %get3A = arith.constant 0 : index
    %get3A_0 = arith.constant 0 : index
    %get3A_1 = vector.load %arg0[%get3A, %get3A_0] : memref<6000x128xf32, #tpu.memory_space<vmem>>, vector<6000x128xf32>
    %get3A_2 = arith.constant 0 : index
    %get3A_3 = arith.constant 0 : index
    %get3A_4 = vector.load %arg1[%get3A_2, %get3A_3] : memref<4000x128xf32, #tpu.memory_space<vmem>>, vector<4000x128xf32>
    %mul3A = arith.mulf %get3A_1, %get3A_1 : vector<6000x128xf32>
    %reduce_sum3A = arith.constant dense<0.000000e+00> : vector<6000xf32>
    %reduce_sum3A_5 = vector.multi_reduction <add>, %mul3A, %reduce_sum3A [1] : vector<6000x128xf32> to vector<6000xf32>
    %reduce_max3A = vector.shape_cast %reduce_sum3A_5 : vector<6000xf32> to vector<1x6000xf32>
    %reduce_max3A_6 = arith.constant dense<0xFF800000> : vector<1xf32>
    %reduce_max3A_7 = vector.multi_reduction <maximumf>, %reduce_max3A, %reduce_max3A_6 [1] : vector<1x6000xf32> to vector<1xf32>
    %reduce_max3A_8 = vector.shape_cast %reduce_max3A_7 : vector<1xf32> to vector<1x1xf32>
    %reduce_max3A_9 = vector.extract %reduce_max3A_8[0, 0] : f32 from vector<1x1xf32>
    %mul3A_10 = arith.mulf %get3A_4, %get3A_4 : vector<4000x128xf32>
    %reduce_sum3A_11 = arith.constant dense<0.000000e+00> : vector<4000xf32>
    %reduce_sum3A_12 = vector.multi_reduction <add>, %mul3A_10, %reduce_sum3A_11 [1] : vector<4000x128xf32> to vector<4000xf32>
    %reduce_max3A_13 = vector.shape_cast %reduce_sum3A_12 : vector<4000xf32> to vector<1x4000xf32>
    %reduce_max3A_14 = arith.constant dense<0xFF800000> : vector<1xf32>
    %reduce_max3A_15 = vector.multi_reduction <maximumf>, %reduce_max3A_13, %reduce_max3A_14 [1] : vector<1x4000xf32> to vector<1xf32>
    %reduce_max3A_16 = vector.shape_cast %reduce_max3A_15 : vector<1xf32> to vector<1x1xf32>
    %reduce_max3A_17 = vector.extract %reduce_max3A_16[0, 0] : f32 from vector<1x1xf32>
    %max3A = arith.maximumf %reduce_max3A_9, %reduce_max3A_17 : f32
    %rsqrt3A = math.rsqrt %max3A : f32
    %get3A_18 = arith.constant 0 : index
    %get3A_19 = arith.constant 0 : index
    %get3A_20 = arith.constant 0 : index
    %get3A_21 = vector.load %arg2[%get3A_18, %get3A_19, %get3A_20] : memref<2x10240x128xf32, #tpu.memory_space<vmem>>, vector<1x10240x128xf32>
    %get3A_22 = vector.shape_cast %get3A_21 : vector<1x10240x128xf32> to vector<10240x128xf32>
    %get3A_23 = arith.constant 1 : index
    %get3A_24 = arith.constant 0 : index
    %get3A_25 = arith.constant 0 : index
    %get3A_26 = vector.load %arg2[%get3A_23, %get3A_24, %get3A_25] : memref<2x10240x128xf32, #tpu.memory_space<vmem>>, vector<1x10240x128xf32>
    %get3A_27 = vector.shape_cast %get3A_26 : vector<1x10240x128xf32> to vector<10240x128xf32>
    %add3A = arith.addf %get3A_22, %get3A_27 : vector<10240x128xf32>
    %get3A_28 = arith.constant 0 : index
    %get3A_29 = arith.constant 0 : index
    %get3A_30 = vector.load %arg3[%get3A_28, %get3A_29] : memref<32x10240xf32, #tpu.memory_space<vmem>>, vector<32x10240xf32>
    %transpose3A = tpu.transpose %get3A_30, [1, 0] : vector<32x10240xf32> -> vector<10240x32xf32>
    %reduce_sum3A_31 = arith.constant dense<0.000000e+00> : vector<10240xf32>
    %reduce_sum3A_32 = vector.multi_reduction <add>, %transpose3A, %reduce_sum3A_31 [1] : vector<10240x32xf32> to vector<10240xf32>
    %broadcast_in_dim3A = vector.shape_cast %reduce_sum3A_32 : vector<10240xf32> to vector<10240x1xf32>
    %add3A_33 = arith.constant 1.000000e+00 : f32
    %add3A_34 = vector.broadcast %add3A_33 : f32 to vector<10240x1xf32>
    %add3A_35 = arith.addf %broadcast_in_dim3A, %add3A_34 : vector<10240x1xf32>
    %rsqrt3A_36 = math.rsqrt %add3A_35 : vector<10240x1xf32>
    %mul3A_37 = vector.broadcast %rsqrt3A : f32 to vector<10240x1xf32>
    %mul3A_38 = arith.mulf %rsqrt3A_36, %mul3A_37 : vector<10240x1xf32>
    %mul3A_39 = vector.broadcast %mul3A_38 : vector<10240x1xf32> to vector<10240x128xf32>
    %mul3A_40 = arith.mulf %add3A, %mul3A_39 : vector<10240x128xf32>
    %get3A_41 = arith.constant 0 : index
    %get3A_42 = arith.constant 0 : index
    %get3A_43 = vector.load %arg4[%get3A_41, %get3A_42] : memref<128x128xf32, #tpu.memory_space<vmem>>, vector<128x128xf32>
    %get3A_44 = arith.constant 0 : index
    %get3A_45 = arith.constant 0 : index
    %get3A_46 = memref.load %arg5[%get3A_44, %get3A_45] : memref<1x1xf32, #tpu.memory_space<smem>>
    %slice3A = vector.extract_strided_slice %mul3A_40 {offsets = [0, 0], sizes = [6000, 128], strides = [1, 1]} : vector<10240x128xf32> to vector<6000x128xf32>
    %dot_general3A = arith.constant dense<0.000000e+00> : vector<6000x128xf32>
    %dot_general3A_47 = tpu.matmul %slice3A, %get3A_43, %dot_general3A {dimension_numbers = #tpu.dot_dimension_numbers<[1], [0], [0], [1], [0, 0, 1, 1], [], []>, transpose_lhs_hint = false} : vector<6000x128xf32>, vector<128x128xf32>, vector<6000x128xf32> -> vector<6000x128xf32>
    %tanh3A = math.tanh %dot_general3A_47 : vector<6000x128xf32>
    %mul3A_48 = vector.broadcast %rsqrt3A : f32 to vector<6000x128xf32>
    %mul3A_49 = arith.mulf %get3A_1, %mul3A_48 : vector<6000x128xf32>
    %mul3A_50 = vector.broadcast %get3A_46 : f32 to vector<6000x128xf32>
    %mul3A_51 = arith.mulf %mul3A_50, %tanh3A : vector<6000x128xf32>
    %add3A_52 = arith.addf %mul3A_49, %mul3A_51 : vector<6000x128xf32>
    %swap3A = arith.constant 0 : index
    %swap3A_53 = arith.constant 0 : index
    %swap3A_54 = vector.load %arg6[%swap3A, %swap3A_53] : memref<6000x128xf32, #tpu.memory_space<vmem>>, vector<6000x128xf32>
    tpu.vector_store %arg6[%swap3A, %swap3A_53], %add3A_52 {strides = array<i32>} : memref<6000x128xf32, #tpu.memory_space<vmem>>, vector<6000x128xf32>,
    %slice3A_55 = vector.extract_strided_slice %mul3A_40 {offsets = [6000, 0], sizes = [4000, 128], strides = [1, 1]} : vector<10240x128xf32> to vector<4000x128xf32>
    %dot_general3A_56 = arith.constant dense<0.000000e+00> : vector<4000x128xf32>
    %dot_general3A_57 = tpu.matmul %slice3A_55, %get3A_43, %dot_general3A_56 {dimension_numbers = #tpu.dot_dimension_numbers<[1], [0], [0], [1], [0, 0, 1, 1], [], []>, transpose_lhs_hint = false} : vector<4000x128xf32>, vector<128x128xf32>, vector<4000x128xf32> -> vector<4000x128xf32>
    %tanh3A_58 = math.tanh %dot_general3A_57 : vector<4000x128xf32>
    %mul3A_59 = vector.broadcast %rsqrt3A : f32 to vector<4000x128xf32>
    %mul3A_60 = arith.mulf %get3A_4, %mul3A_59 : vector<4000x128xf32>
    %mul3A_61 = vector.broadcast %get3A_46 : f32 to vector<4000x128xf32>
    %mul3A_62 = arith.mulf %mul3A_61, %tanh3A_58 : vector<4000x128xf32>
    %add3A_63 = arith.addf %mul3A_60, %mul3A_62 : vector<4000x128xf32>
    %swap3A_64 = arith.constant 0 : index
    %swap3A_65 = arith.constant 0 : index
    %swap3A_66 = vector.load %arg7[%swap3A_64, %swap3A_65] : memref<4000x128xf32, #tpu.memory_space<vmem>>, vector<4000x128xf32>
    tpu.vector_store %arg7[%swap3A_64, %swap3A_65], %add3A_63 {strides = array<i32>} : memref<4000x128xf32, #tpu.memory_space<vmem>>, vector<4000x128xf32>,
    return
  }
}

</mosaic_0001>

<sc_bundles>
// kernel: kernel.4.cloned.1.call-start
scs
__scs_entry_jumppad:
0x0: {  	(pc) =	sbr.rel $0x88, $3  }
0x1: {  	(tag) =	ssettag $0x0;
	lr =	simm.s32 $0x1  }
0x2: {  	[smem:$0x3F9A] =	sst lr;
	_ =	strace $0xD0000000  }
0x3: {  	_ = 	snop  }
0x4: {  	_ = 	snop  }
0x5: {  	_ = 	snop  }
0x6: {  	_ = 	snop  }
0x7: {  	_ = 	snop  }
__scs_overlays_trampoline_lowered:
0x8: {  	[smem:$0x3FA9] =	sst s0  }
0x9: {  	[smem:$0x3FAA] =	sst s1  }
0xa: {  	[smem:$0x3FAB] =	sst s2  }
0xb: {  	[smem:$0x3FAC] =	sst s3  }
0xc: {  	[smem:$0x3FAD] =	sst s4  }
0xd: {  	[smem:$0x3FAE] =	sst s5  }
0xe: {  	[smem:$0x3FAF] =	sst s6  }
0xf: {  	[smem:$0x3FB0] =	sst s7  }
0x10: {  	[smem:$0x3FB1] =	sst s8  }
0x11: {  	[smem:$0x3FB2] =	sst s9;
	s0 =	simm.s32 @!p0 $0x0  }
0x12: {  	s1 =	sld [smem:$0x3F98];
	s0 =	simm.s32 @p0 $0x1  }
0x13: {  	[smem:$0x3FB3] =	sst s0;
	s0 =	simm.s32 @!p1 $0x0  }
0x14: {  	s2 =	sld [smem:$0x3F97];
	s0 =	simm.s32 @p1 $0x1  }
0x15: {  	[smem:$0x3FB4] =	sst s0;
	s0 =	simm.s32 @!p2 $0x0  }
0x16: {  	s3 =	sld [smem:$0x3FDB];
	s0 =	simm.s32 @p2 $0x1  }
0x17: {  	s4 =	simm.s32 $0x1BF5;
	[smem:$0x3FB6] =	sst s0  }
0x18: {  	s0 =	sld [smem:$0x3F99];
	_ =	swait.ge [sflag:s4], $0x0  }
0x19: {  	s7 =	sld [smem:$0x3F9A]  }
0x1a: {  	s8 =	sadd.s32 $0xFFFFE003, lr  }
0x1b: {  	s9 =	sadd.s32 $0xFFFFFEF7, lr;
	s5 =	simm.s32 $0xFFFFFFFF;
	p2 =	slt.u32 s8, $0xFFFFF086  }
0x1c: {  	p1 =	slt.u32 s9, $0xF7A;
	s5 =	simm.s32 @!p2 $0x0  }
0x1d: {  	s5 =	simm.s32 @p1 $0x1;
	p0 =	seq.s32 s7, s2  }
0x1e: {  	s7 =	smul.u32 @!p0 $0xF7A, s2;
	p2 =	seq.s32 @!p0 s5, $0x0  }
0x1f: {  	s9 =	smul.u32 $0xF7A, s1;
	s8 =	simm.s32 @!p0 $0x1BF5;
	p2 =	por !p2, p0  }
0x20: {  	[sflag:s8] =	ssyncset.s32 @!p0 $0xFFFFF086;
	s6 =	sadd.s32 @!p0 s3, s7;
	s7 =	simm.s32 @!p0 $0x108  }
0x21: {  	s3 =	sadd.s32 s3, s9;
	s6 =	sadd.s32 @!p0 $0x88, s6;
	s7 =	simm.s32 @p2 $0x1082  }
0x22: {  	[simem:s7], [sflag:s8] =	dma.local @!p0 [hbm:s6], $0xF7A  }
0x23: {  	s9 =	sor.u32 $0xD0000000, s2;
	s6 =	simm.s32 $0x108;
	_ =	swait.ge @!p0 [sflag:s8], $0x0  }
0x24: {  	s3 =	sadd.s32 $0x88, s3;
	s6 =	simm.s32 @!p1 $0x1082;
	[sflag:s4] =	ssyncset.s32 $0xFFFFF086  }
0x25: {  	[simem:s6], [sflag:s4] =	dma.local [hbm:s3], $0xF7A  }
0x26: {  	[smem:$0x3F9A] =	sst s1;
	(tag) =	ssettag s2;
	_ =	strace s9  }
0x27: {  	s1 =	sld [smem:$0x3FAA]  }
0x28: {  	s2 =	sld [smem:$0x3FAB]  }
0x29: {  	s4 =	sld [smem:$0x3FAD]  }
0x2a: {  	p0 =	seq.s32 s5, $0x0;
	s5 =	sld [smem:$0x3FAE]  }
0x2b: {  	s6 =	sld [smem:$0x3FAF]  }
0x2c: {  	s7 =	sld [smem:$0x3FB0]  }
0x2d: {  	s3 =	simm.s32 $0x108;
	s8 =	sld [smem:$0x3FB1]  }
0x2e: {  	s3 =	simm.s32 @!p0 $0x1082;
	s9 =	sld [smem:$0x3FB2]  }
0x2f: {  	lr =	sadd.s32 s0, s3;
	s0 =	sld [smem:$0x3FA9]  }
0x30: {  	s3 =	sld [smem:$0x3FAC]  }
0x31: {  	[smem:$0x3FB5] =	sst s10  }
0x32: {  	s10 =	sld [smem:$0x3FB3];
	_ =	sdelay $0x3  }
0x33: {  	p0 =	seq.s32 s10, $0x1;
	s10 =	sld [smem:$0x3FB5];
	_ =	sdelay $0x3  }
0x34: {  	[smem:$0x3FB5] =	sst s10  }
0x35: {  	s10 =	sld [smem:$0x3FB4];
	_ =	sdelay $0x3  }
0x36: {  	p1 =	seq.s32 s10, $0x1;
	s10 =	sld [smem:$0x3FB5];
	_ =	sdelay $0x3  }
0x37: {  	[smem:$0x3FB5] =	sst s10  }
0x38: {  	s10 =	sld [smem:$0x3FB6]  }
0x39: {  	_ = 	snop;
	(pc) =	sbr.ind lr, $3  }
0x3a: {  	_ = 	snop  }
0x3b: {  	_ = 	snop  }
0x3c: {  	p2 =	seq.s32 s10, $0x1;
	s10 =	sld [smem:$0x3FB5]  }
0x3d: {  	_ =	shalt  }
0x3e: {  	_ =	shalt  }
0x3f: {  	_ =	shalt  }
0x40: {  	_ =	shalt  }
0x41: {  	_ =	shalt  }
0x42: {  	_ =	shalt  }
0x43: {  	_ =	shalt  }
0x44: {  	_ =	shalt  }
0x45: {  	_ =	shalt  }
0x46: {  	_ =	shalt  }
0x47: {  	_ =	shalt  }
0x48: {  	_ =	shalt  }
0x49: {  	_ =	shalt  }
0x4a: {  	_ =	shalt  }
0x4b: {  	_ =	shalt  }
0x4c: {  	_ =	shalt  }
0x4d: {  	_ =	shalt  }
0x4e: {  	_ =	shalt  }
0x4f: {  	_ =	shalt  }
0x50: {  	_ =	shalt  }
0x51: {  	_ =	shalt  }
0x52: {  	_ =	shalt  }
0x53: {  	_ =	shalt  }
0x54: {  	_ =	shalt  }
0x55: {  	_ =	shalt  }
0x56: {  	_ =	shalt  }
0x57: {  	_ =	shalt  }
0x58: {  	_ =	shalt  }
0x59: {  	_ =	shalt  }
0x5a: {  	_ =	shalt  }
0x5b: {  	_ =	shalt  }
0x5c: {  	_ =	shalt  }
0x5d: {  	_ =	shalt  }
0x5e: {  	_ =	shalt  }
0x5f: {  	_ =	shalt  }
0x60: {  	_ =	shalt  }
0x61: {  	_ =	shalt  }
0x62: {  	_ =	shalt  }
0x63: {  	_ =	shalt  }
0x64: {  	_ =	shalt  }
0x65: {  	_ =	shalt  }
0x66: {  	_ =	shalt  }
0x67: {  	_ =	shalt  }
0x68: {  	_ =	shalt  }
0x69: {  	_ =	shalt  }
0x6a: {  	_ =	shalt  }
0x6b: {  	_ =	shalt  }
0x6c: {  	_ =	shalt  }
0x6d: {  	_ =	shalt  }
0x6e: {  	_ =	shalt  }
0x6f: {  	_ =	shalt  }
0x70: {  	_ =	shalt  }
0x71: {  	_ =	shalt  }
0x72: {  	_ =	shalt  }
0x73: {  	_ =	shalt  }
0x74: {  	_ =	shalt  }
0x75: {  	_ =	shalt  }
0x76: {  	_ =	shalt  }
0x77: {  	_ =	shalt  }
0x78: {  	_ =	shalt  }
0x79: {  	_ =	shalt  }
0x7a: {  	_ =	shalt  }
0x7b: {  	_ =	shalt  }
0x7c: {  	_ =	shalt  }
0x7d: {  	_ =	shalt  }
0x7e: {  	_ =	shalt  }
0x7f: {  	_ =	shalt  }
0x80: {  	_ =	shalt  }
0x81: {  	_ =	shalt  }
0x82: {  	_ =	shalt  }
0x83: {  	_ =	shalt  }
0x84: {  	_ =	shalt  }
0x85: {  	_ =	shalt  }
0x86: {  	_ =	shalt  }
0x87: {  	_ =	shalt  }
.Lfunc_end0:
.L_simem_size_0:
called_computation_lowered:
.L_overlay_start_0:
0x88: {  	s2 =	sld [smem:$0x3FD9]  }
0x89: {  	s3 =	sld [smem:$0x3FFE];
	_ =	sdelay $0x1  }
0x8a: {  	s1 =	srdreg.scid  }
0x8b: {  	s0 =	sand.u32 $0x1, s1  }
0x8c: {  	s14 =	sshll.u32 s0, $0xA;
	s2 =	sadd.s32 s3, s2  }
0x8d: {  	s2 =	sadd.s32 s2, s14  }
0x8e: {  	[smem:$0x3FC1] =	sst s2  }
0x8f: {  	_ = 	snop  }
0x90: {  	s2 =	sld [smem:$0x3FD0];
	_ =	sdelay $0x2  }
0x91: {  	s15 =	simm.s32 $0xA;
	s4 =	simm.s32 $0x10  }
0x92: {  	[smem:s4], [sflag:s15] =	dma.local [hbm:s2], $0x1  }
0x93: {  	_ =	swait.eq [sflag:s15], $0x1  }
0x94: {  	[sflag:s15] =	ssyncset.done $0x0  }
0x95: {  	s16 =	sld [smem:$0x10];
	[sflag:s15] =	ssyncadd.s32 $0xFFFFFFFF  }
0x96: {  	s17 =	sld [smem:$0x11];
	(tm) =	ssettm $0x1  }
0x97: {  	s18 =	sld [smem:$0x3FFB];
	_ =	sdelay $0x3  }
0x98: {  	_ =	strace s18  }
0x99: {  	s4 =	sld [smem:$0x3FFC];
	_ =	sdelay $0x3  }
0x9a: {  	_ =	strace s4  }
0x9b: {  	s4 =	sld [smem:$0x3FFD];
	_ =	sdelay $0x3  }
0x9c: {  	_ =	strace s4  }
0x9d: {  	_ =	strace $0x8FFFFFFF  }
0x9e: {  	s19 =	sld [smem:$0x3FDB];
	_ =	sdelay $0x1  }
0x9f: {  	s5 =	simm.s32 $_scs_section_size  }
0xa0: {  	s6 =	simm.s32 $_size__tile_overlayer_lowered;
	s7 =	simm.s32 $_tile_overlayer_lowered  }
0xa1: {  	s22 =	simm.s32 $0x1BFF;
	s21 =	sshll.u32 s7, $0x1;
	s4 =	sadd.s32 s5, s19  }
0xa2: {  	s8 =	simm.s32 $0x0;
	s20 =	sshll.u32 s6, $0x1;
	s6 =	sadd.s32 s21, s4  }
0xa3: {  	[timem:s8], [sflag:s22] =	dma.local [hbm:s6], s20  }
0xa4: {  	_ =	swait.ge [sflag:s22], s20  }
0xa5: {  	s5 =	ssub.s32 $0x0, s20;
	[sflag:s22] =	ssyncset.done $0x0  }
0xa6: {  	[sflag:s22] =	ssyncadd.s32 s5;
	_ =	sdelay $0x1  }
0xa7: {  	s23 =	simm.s32 $0x1B8B  }
0xa8: {  	_ =	swait.ge [sflag:s23], $0x1  }
0xa9: {  	[sflag:s23] =	ssyncset.done $0x0  }
0xaa: {  	s25 =	simm.s32 $0x1B8E;
	s24 =	sld [smem:$0x3FFE];
	[sflag:s23] =	ssyncadd.s32 $0xFFFFFFFF  }
0xab: {  	s26 =	simm.s32 $execute0_lowered;
	[smem:$0x3FD2] =	sst s25  }
0xac: {  	s6 =	sshll.u32 s26, $0x1;
	_ =	strace $0x80000046;
	[dreg:$0x1] =	wrdreg $0xFFFFFFFF  }
0xad: {  	s28 =	simm.s32 $_size_execute0_lowered;
	s4 =	sadd.s32 s4, s6;
	[dreg:$0x0] =	wrdreg $0x0  }
0xae: {  	s6 =	sshll.u32 s28, $0x1;
	[dreg:$0x2] =	wrdreg s4  }
0xaf: {  	[dreg:$0x3] =	wrdreg s6  }
0xb0: {  	[dreg:$0x4] =	wrdreg $0xC0  }
0xb1: {  	_ =	task [dreg:s8], $0x5FFFF  }
0xb2: {  	[dreg:$0x1] =	wrdreg $0xFFFFFFFF  }
0xb3: {  	[dreg:$0x0] =	wrdreg $0x60  }
0xb4: {  	[dreg:$0x2] =	wrdreg s24  }
0xb5: {  	[dreg:$0x3] =	wrdreg s16  }
0xb6: {  	[dreg:$0x4] =	wrdreg s17  }
0xb7: {  	[dreg:$0x5] =	wrdreg $0x7C000  }
0xb8: {  	[dreg:$0x6] =	wrdreg $0x9  }
0xb9: {  	_ =	task.clear_ibuf [dreg:s8], $0x7FFFF;
	_ =	strace $0x90000046  }
0xba: {  	s29 =	simm.s32 $0x9;
	_ =	strace $0x80000048  }
0xbb: {  	_ =	swait.ge [sflag:s29], $0x1  }
0xbc: {  	[sflag:s29] =	ssyncadd.s32 $0xFFFFFFFF  }
0xbd: {  	_ =	strace $0x90000048  }
0xbe: {  	_ =	sfence  }
0xbf: {  	s30 =	sld [smem:$0x0];
	_ =	sdelay $0x2  }
0xc0: {  	s31 =	sshll.u32 s1, $0xD;
	s1 =	sshrl.u32 s1, $0x2  }
0xc1: {  	s3 =	sand.u32 $0x4000, s31;
	s1 =	sadd.s32 s1, s30  }
0xc2: {  	s0 =	sor.u32 s3, s0;
	s1 =	sshll.u32 s1, $0x11  }
0xc3: {  	s0 =	sor.u32 s1, s0  }
0xc4: {  	s0 =	sadd.s32 $0x8F2B, s0  }
0xc5: {  	[sflag:s0] =	ssyncadd.remote.s32 $0x1  }
0xc6: {  	_ =	sfence.sel $0xFFFF  }
0xc7: {  	[dreg:$0x0] =	wrdreg $0xFFFFFFFF;
	(pc) =	sbr.abs _section_cstart, $3  }
0xc8: {  	[dreg:$0x1] =	wrdreg $0xFFFFFFFF  }
0xc9: {  	_ =	task.clear_ibuf [dreg:s8], $0x2FFFF;
	_ =	strace $0x9FFFFFFF  }
0xca: {  	(tm) =	ssettm $0x7FFFFFFF  }
0xcb: {  	_ =	shalt  }
tec
execute0_lowered:
.L_overlay_start_1:
0x0: {  	(tag) =	ssettag $0x1  }
0x1: {  	s0 =	rddreg [dreg:$0x0]  }
0x2: {  	s1 =	rddreg [dreg:$0x2]  }
0x3: {  	s2 =	rddreg [dreg:$0x3];
	s3 =	srdreg.scid  }
0x4: {  	s4 =	simm.s32 $0x0;
	s13 =	stileid.u32;
	s28 =	simm.s32 $0x280  }
0x5: {  	s29 =	simm.s32 $0x300;
	s30 =	simm.s32 $0x7;
	s31 =	simm.s32 $0x5400  }
0x6: {  	s3 =	sand.u32 $0x1, s3;
	[smem:$0x7FF] =	sst s4;
	s8 =	smul.u32 $0x14000, s13  }
0x7: {  	s5 =	sadd.s32 $0x1600, s0;
	s6 =	sadd.s32 $0x21600, s0;
	s12 =	sadd.s32 $0x48800, s0  }
0x8: {  	s20 =	sshll.u32 s13, $0x7;
	s22 =	smul.u32 $0x50000, s13;
	s24 =	sshll.u32 s13, $0x6  }
0x9: {  	s7 =	smul.u32 $0x140000, s3;
	_ =	strace $0x80000047;
	s9 =	sshll.u32 s3, $0x4  }
0xa: {  	[dreg:$0x5] =	wrdreg s12;
	s3 =	ssub.s32 $0x2, s3;
	s11 =	sor.u32 s13, s9  }
0xb: {  	s14 =	sshrl.u32 s3, $0x1;
	s23 =	sshrl.u32 s22, $0x2;
	s13 =	simm.s32 $0x5  }
0xc: {  	s7 =	sadd.s32 s8, s7;
	s8 =	sshll.u32 s11, $0xE;
	s10 =	sshll.u32 s11, $0xB  }
0xd: {  	s3 =	ssub.s32 s3, s14;
	s18 =	sshrl.u32 s11, $0x3;
	s11 =	sand.u32 $0x380, s20  }
0xe: {  	s25 =	sadd.s32 s23, s2;
	s23 =	simm.s32 $0x80;
	s7 =	sshrl.u32 s7, $0x3  }
0xf: {  	s9 =	sor.u32 $0x80000, s8;
	s10 =	sadd.s32 s5, s10;
	[dreg:$0xe] =	wrdreg s25  }
0x10: {  	s26 =	smax.u32 s3, $0x1;
	s25 =	simm.s32 $0x180;
	[dreg:$0x6] =	wrdreg s10  }
0x11: {  	s3 =	simm.s32 $0x50;
	s16 =	sadd.s32 $0x10, s10;
	[dreg:$0x12] =	wrdreg s26  }
0x12: {  	s0 =	sadd.s32 s7, s0;
	s17 =	sadd.s32 $0x10010, s10;
	[dreg:$0x8] =	wrdreg s16  }
0x13: {  	s12 =	sshrl.u32 s9, $0x3;
	s19 =	sadd.s32 $0x20, s10;
	[dreg:$0x9] =	wrdreg s17  }
0x14: {  	s7 =	smul.u32 $0x14000, s18;
	s21 =	sadd.s32 $0x10020, s10;
	[dreg:$0xa] =	wrdreg s19  }
0x15: {  	s14 =	sadd.s32 $0x30, s10;
	s10 =	sadd.s32 $0x10030, s10;
	[dreg:$0xb] =	wrdreg s21  }
0x16: {  	s18 =	sor.u32 $0x1C07, s24;
	s24 =	simm.s32 $0x100;
	[dreg:$0xc] =	wrdreg s14  }
0x17: {  	s26 =	simm.s32 $0x200;
	s15 =	sadd.s32 s5, s12;
	[dreg:$0xd] =	wrdreg s10  }
0x18: {  	s0 =	sadd.s32 $0x48E00, s0;
	s12 =	simm.s32 $0x1;
	s14 =	simm.s32 $0x2  }
.Ltmp0:
0x19: {  	s16 =	simm.s32 $0x380;
	[dreg:$0xf] =	wrdreg s18;
	(pc) =	sbr.rel .LBB2_1-.Ltmp0, $4  }
0x1a: {  	s17 =	simm.s32 $0x0;
	[dreg:$0x7] =	wrdreg s15;
	s7 =	sor.u32 s11, s7  }
0x1b: {  	[dreg:$0x11] =	wrdreg s0;
	s0 =	simm.s32 $0x3;
	s7 =	sshrl.u32 s7, $0x3  }
0x1c: {  	s11 =	simm.s32 $0x2C00;
	s15 =	simm.s32 $0x6;
	s1 =	sadd.s32 s1, s7  }
0x1d: {  	v0 =	vimm.f32 $1.000000000e+00;
	s7 =	simm.s32 $0x4;
	[dreg:$0x10] =	wrdreg s1;
	s1 =	simm.s32 $0x400  }
.LBB2_4:
0x1e: {  	_ =	swait.ge [sflag:s12], $0x2800  }
0x1f: {  	[sflag:s12] =	ssyncset.done $0x0  }
0x20: {  	[sflag:s12] =	ssyncadd.s32 $0xFFFFD800  }
0x21: {  	[spmem:s2] =	stream.indirect.scatter.add.f32 [tilespmem:s1], [sflag:$0x7], $0x80, s23, s3, $0xb8;
	[tilespmem:$0x1BC00] =	vst v63  }
0x22: {  	_ =	swait.ge [sflag:s30], $0x2800  }
0x23: {  	[sflag:s30] =	ssyncset.done $0x0  }
0x24: {  	s10 =	rddreg [dreg:$0x10];
	[sflag:s30] =	ssyncadd.s32 $0xFFFFD800  }
0x25: {  	[hbm4b:s10+s23] =	stream.strided.scatter [tilespmem:s31], [sflag:$0x7], $0x2800, s1, s23, $0x38;
	[tilespmem:$0x1BC00] =	vst v63  }
0x26: {  	_ =	swait.ge [sflag:s30], $0x2800  }
0x27: {  	[sflag:s30] =	ssyncset.done $0x0  }
0x28: {  	[sflag:s30] =	ssyncadd.s32 $0xFFFFD800  }
0x29: {  	[bflag:$0x0] =	sbarrier.arrive $0xFFFF  }
0x2a: {  	s18 =	rddreg [dreg:$0xf]  }
0x2b: {  	s21 =	rddreg [dreg:$0x11]  }
0x2c: {  	s19 =	rddreg [dreg:$0x13]  }
0x2d: {  	[hbm:s21], [sflag:s18] =	dma.local [spmem:s19], $0x2800  }
0x2e: {  	_ =	swait.ge [sflag:s30], $0x2800  }
0x2f: {  	s17 =	sadd.s32 $0x1, s17;
	s22 =	rddreg [dreg:$0x12]  }
0x30: {  	p0 =	sne.s32 s17, s22  }
.Ltmp1:
0x31: {  	_ = 	snop;
	(pc) =	sbr.rel @!p0 .LBB2_5-.Ltmp1, $3  }
0x32: {  	_ =	sdelay $0x1  }
0x33: {  	[sflag:s30] =	ssyncset.done $0x0  }
0x34: {  	[sflag:s30] =	ssyncadd.s32 $0xFFFFD800  }
.LBB2_1:
0x35: {  	s10 =	rddreg [dreg:$0x6]  }
0x36: {  	s21 =	rddreg [dreg:$0x7]  }
0x37: {  	[tilespmem:s4], [sflag:$0x3] =	stream.linear.gather [hbm4b:s10+s4], $0x80, $0x38;
	[tilespmem:$0x1BC00] =	vst v63  }
0x38: {  	s22 =	rddreg [dreg:$0x8]  }
0x39: {  	[tilespmem:s23], [sflag:$0x3] =	stream.linear.gather [hbm4b:s21+s4], $0x80, $0x38;
	[tilespmem:$0x1BC00] =	vst v63  }
0x3a: {  	s19 =	rddreg [dreg:$0x9]  }
0x3b: {  	[tilespmem:s24], [sflag:$0x4] =	stream.linear.gather [hbm4b:s22+s4], $0x80, $0x38;
	[tilespmem:$0x1BC00] =	vst v63  }
0x3c: {  	s20 =	rddreg [dreg:$0xa]  }
0x3d: {  	[tilespmem:s25], [sflag:$0x4] =	stream.linear.gather [hbm4b:s19+s4], $0x80, $0x38;
	[tilespmem:$0x1BC00] =	vst v63  }
0x3e: {  	s21 =	rddreg [dreg:$0xb]  }
0x3f: {  	[tilespmem:s26], [sflag:$0x5] =	stream.linear.gather [hbm4b:s20+s4], $0x80, $0x38;
	[tilespmem:$0x1BC00] =	vst v63  }
0x40: {  	s22 =	rddreg [dreg:$0xc]  }
0x41: {  	[tilespmem:s28], [sflag:$0x5] =	stream.linear.gather [hbm4b:s21+s4], $0x80, $0x38;
	[tilespmem:$0x1BC00] =	vst v63  }
0x42: {  	s19 =	rddreg [dreg:$0xd]  }
0x43: {  	[tilespmem:s29], [sflag:$0x6] =	stream.linear.gather [hbm4b:s22+s4], $0x80, $0x38;
	[tilespmem:$0x1BC00] =	vst v63  }
0x44: {  	s20 =	rddreg [dreg:$0xe]  }
0x45: {  	[tilespmem:s16], [sflag:$0x6] =	stream.linear.gather [hbm4b:s19+s4], $0x80, $0x38;
	[tilespmem:$0x1BC00] =	vst v63  }
0x46: {  	s21 =	rddreg [dreg:$0x1];
	s19 =	sshrl.u32 s20, $0x3  }
0x47: {  	[dreg:$0x13] =	wrdreg s19  }
0x48: {  	[spmem:s19], [sflag:s18] =	dma.local [hbm:s21], $0x2800  }
0x49: {  	_ =	swait.ge [sflag:s30], $0x2800  }
0x4a: {  	[sflag:s30] =	ssyncset.done $0x0  }
0x4b: {  	s22 =	rddreg [dreg:$0x5];
	[sflag:s30] =	ssyncadd.s32 $0xFFFFD800  }
0x4c: {  	[tilespmem:s31], [sflag:$0x7] =	stream.linear.gather [hbm4b:s22+s4], $0x2800, $0x38;
	[tilespmem:$0x1BC00] =	vst v63  }
0x4d: {  	_ =	swait.ge [sflag:s30], $0x2800  }
0x4e: {  	[sflag:s30] =	ssyncset.done $0x0  }
0x4f: {  	[sflag:s30] =	ssyncadd.s32 $0xFFFFD800  }
0x50: {  	[bflag:$0x0] =	sbarrier.arrive $0xFFFF  }
0x51: {  	_ =	swait.ge [sflag:s0], $0x80  }
0x52: {  	[sflag:s0] =	ssyncset.done $0x0  }
0x53: {  	[sflag:s0] =	ssyncadd.s32 $0xFFFFFF80  }
0x54: {  	_ =	swait.ge [sflag:s0], $0x80  }
0x55: {  	[sflag:s0] =	ssyncset.done $0x0  }
0x56: {  	[sflag:s0] =	ssyncadd.s32 $0xFFFFFF80  }
0x57: {  	[tilespmem:s1], [sflag:$0x1] =	stream.indirect.gather [hbm4b:s6+s3], $0x80, s4, s3, $0xb8;
	[tilespmem:$0x1BC00] =	vst v63  }
0x58: {  	v1 =	vld [tilespmem:$0x80];
	_ =	sdelay $0x7  }
0x59: {  	[tilespmem:v1+s31+$0x0] =	vst.idx.add.f32.msk $0xffff, v0  }
0x5a: {  	v1 =	vld [tilespmem:$0x90];
	_ =	sdelay $0x7  }
0x5b: {  	[tilespmem:v1+s31+$0x0] =	vst.idx.add.f32.msk $0xffff, v0  }
0x5c: {  	v1 =	vld [tilespmem:$0xA0];
	_ =	sdelay $0x7  }
0x5d: {  	[tilespmem:v1+s31+$0x0] =	vst.idx.add.f32.msk $0xffff, v0  }
0x5e: {  	v1 =	vld [tilespmem:$0xB0];
	_ =	sdelay $0x7  }
0x5f: {  	[tilespmem:v1+s31+$0x0] =	vst.idx.add.f32.msk $0xffff, v0  }
0x60: {  	v1 =	vld [tilespmem:$0xC0];
	_ =	sdelay $0x7  }
0x61: {  	s20 =	simm.s32 $0x380;
	[tilespmem:v1+s31+$0x0] =	vst.idx.add.f32.msk $0xffff, v0  }
.LBB2_2:
0x62: {  	_ =	swait.ge [sflag:s7], $0x80  }
0x63: {  	[sflag:s7] =	ssyncset.done $0x0  }
0x64: {  	[sflag:s7] =	ssyncadd.s32 $0xFFFFFF80  }
0x65: {  	_ =	swait.ge [sflag:s7], $0x80  }
0x66: {  	[sflag:s7] =	ssyncset.done $0x0  }
0x67: {  	[sflag:s7] =	ssyncadd.s32 $0xFFFFFF80  }
0x68: {  	[tilespmem:s11], [sflag:$0x2] =	stream.indirect.gather [hbm4b:s6+s3], $0x80, s24, s3, $0xb8;
	[tilespmem:$0x1BC00] =	vst v63  }
0x69: {  	v1 =	vld [tilespmem:$0x180];
	_ =	sdelay $0x7  }
0x6a: {  	[tilespmem:v1+s31+$0x0] =	vst.idx.add.f32.msk $0xffff, v0  }
0x6b: {  	v1 =	vld [tilespmem:$0x190];
	_ =	sdelay $0x7  }
0x6c: {  	[tilespmem:v1+s31+$0x0] =	vst.idx.add.f32.msk $0xffff, v0  }
0x6d: {  	v1 =	vld [tilespmem:$0x1A0];
	_ =	sdelay $0x7  }
0x6e: {  	[tilespmem:v1+s31+$0x0] =	vst.idx.add.f32.msk $0xffff, v0  }
0x6f: {  	v1 =	vld [tilespmem:$0x1B0];
	_ =	sdelay $0x7  }
0x70: {  	[tilespmem:v1+s31+$0x0] =	vst.idx.add.f32.msk $0xffff, v0  }
0x71: {  	v1 =	vld [tilespmem:$0x1C0];
	_ =	sdelay $0x7  }
0x72: {  	[tilespmem:v1+s31+$0x0] =	vst.idx.add.f32.msk $0xffff, v0  }
0x73: {  	s21 =	sadd.s32 $0xFFFFFE80, s20;
	_ =	swait.ge [sflag:s12], $0x2800  }
0x74: {  	s22 =	sand.u32 $0x7C00, s21;
	[sflag:s12] =	ssyncset.done $0x0  }
0x75: {  	s21 =	sand.u32 $0x200, s21;
	s10 =	sadd.s32 s8, s22;
	[sflag:s12] =	ssyncadd.s32 $0xFFFFD800  }
0x76: {  	[spmem:s2] =	stream.indirect.scatter.add.f32 [tilespmem:s1], [sflag:$0x7], $0x80, s23, s3, $0xb8;
	[tilespmem:$0x1BC00] =	vst v63  }
0x77: {  	s10 =	sor.u32 s21, s10;
	_ =	swait.ge [sflag:s30], $0x2800  }
0x78: {  	s10 =	sshrl.u32 s10, $0x3;
	[sflag:s30] =	ssyncset.done $0x0  }
0x79: {  	s22 =	sadd.s32 s9, s22;
	s10 =	sadd.s32 s5, s10;
	[sflag:s30] =	ssyncadd.s32 $0xFFFFD800  }
0x7a: {  	[tilespmem:s4], [sflag:$0x3] =	stream.linear.gather [hbm4b:s10+s4], $0x80, $0x38;
	[tilespmem:$0x1BC00] =	vst v63  }
0x7b: {  	s10 =	sor.u32 s21, s22  }
0x7c: {  	s10 =	sshrl.u32 s10, $0x3  }
0x7d: {  	s10 =	sadd.s32 s5, s10  }
0x7e: {  	[tilespmem:s23], [sflag:$0x3] =	stream.linear.gather [hbm4b:s10+s4], $0x80, $0x38;
	[tilespmem:$0x1BC00] =	vst v63  }
0x7f: {  	_ =	swait.ge [sflag:s13], $0x80  }
0x80: {  	[sflag:s13] =	ssyncset.done $0x0  }
0x81: {  	[sflag:s13] =	ssyncadd.s32 $0xFFFFFF80  }
0x82: {  	_ =	swait.ge [sflag:s13], $0x80  }
0x83: {  	[sflag:s13] =	ssyncset.done $0x0  }
0x84: {  	[sflag:s13] =	ssyncadd.s32 $0xFFFFFF80  }
0x85: {  	[tilespmem:s1], [sflag:$0x1] =	stream.indirect.gather [hbm4b:s6+s3], $0x80, s26, s3, $0xb8;
	[tilespmem:$0x1BC00] =	vst v63  }
0x86: {  	v1 =	vld [tilespmem:$0x280];
	_ =	sdelay $0x7  }
0x87: {  	[tilespmem:v1+s31+$0x0] =	vst.idx.add.f32.msk $0xffff, v0  }
0x88: {  	v1 =	vld [tilespmem:$0x290];
	_ =	sdelay $0x7  }
0x89: {  	[tilespmem:v1+s31+$0x0] =	vst.idx.add.f32.msk $0xffff, v0  }
0x8a: {  	v1 =	vld [tilespmem:$0x2A0];
	_ =	sdelay $0x7  }
0x8b: {  	[tilespmem:v1+s31+$0x0] =	vst.idx.add.f32.msk $0xffff, v0  }
0x8c: {  	v1 =	vld [tilespmem:$0x2B0];
	_ =	sdelay $0x7  }
0x8d: {  	[tilespmem:v1+s31+$0x0] =	vst.idx.add.f32.msk $0xffff, v0  }
0x8e: {  	v1 =	vld [tilespmem:$0x2C0];
	_ =	sdelay $0x7  }
0x8f: {  	p0 =	seq.s32 s20, $0x3F80;
	[tilespmem:v1+s31+$0x0] =	vst.idx.add.f32.msk $0xffff, v0  }
0x90: {  	s10 =	sadd.s32 @!p0 $0xFFFFFF00, s20;
	_ =	swait.ge [sflag:s14], $0x2800  }
0x91: {  	s21 =	sand.u32 @!p0 $0x7C00, s10;
	[sflag:s14] =	ssyncset.done $0x0  }
0x92: {  	s10 =	sand.u32 @!p0 $0x280, s10;
	s22 =	sadd.s32 @!p0 s8, s21;
	[sflag:s14] =	ssyncadd.s32 $0xFFFFD800  }
0x93: {  	[spmem:s2] =	stream.indirect.scatter.add.f32 [tilespmem:s11], [sflag:$0x7], $0x80, s25, s3, $0xb8;
	[tilespmem:$0x1BC00] =	vst v63  }
0x94: {  	s22 =	sor.u32 @!p0 s10, s22;
	_ =	swait.ge [sflag:s30], $0x2800  }
0x95: {  	s19 =	simm.s32 @!p0 $0x0;
	s22 =	sshrl.u32 @!p0 s22, $0x3;
	[sflag:s30] =	ssyncset.done $0x0  }
0x96: {  	s18 =	simm.s32 @!p0 $0x100;
	s22 =	sadd.s32 @!p0 s5, s22;
	[sflag:s30] =	ssyncadd.s32 $0xFFFFD800  }
0x97: {  	[tilespmem:s18], [sflag:$0x4] =	stream.linear.gather @!p0 [hbm4b:s22+s19], $0x80, $0x38;
	[tilespmem:$0x1BC00] =	vst v63  }
0x98: {  	s18 =	sadd.s32 @!p0 s9, s21  }
0x99: {  	s10 =	sor.u32 @!p0 s10, s18  }
0x9a: {  	s10 =	sshrl.u32 @!p0 s10, $0x3  }
0x9b: {  	s18 =	simm.s32 @!p0 $0x180;
	s10 =	sadd.s32 @!p0 s5, s10  }
0x9c: {  	[tilespmem:s18], [sflag:$0x4] =	stream.linear.gather @!p0 [hbm4b:s10+s19], $0x80, $0x38;
	[tilespmem:$0x1BC00] =	vst v63  }
0x9d: {  	_ =	swait.ge [sflag:s15], $0x80  }
0x9e: {  	[sflag:s15] =	ssyncset.done $0x0  }
0x9f: {  	[sflag:s15] =	ssyncadd.s32 $0xFFFFFF80  }
0xa0: {  	_ =	swait.ge [sflag:s15], $0x80  }
0xa1: {  	[sflag:s15] =	ssyncset.done $0x0  }
0xa2: {  	[sflag:s15] =	ssyncadd.s32 $0xFFFFFF80  }
0xa3: {  	[tilespmem:s11], [sflag:$0x2] =	stream.indirect.gather [hbm4b:s6+s3], $0x80, s29, s3, $0xb8;
	[tilespmem:$0x1BC00] =	vst v63  }
0xa4: {  	v1 =	vld [tilespmem:$0x380];
	_ =	sdelay $0x7  }
0xa5: {  	[tilespmem:v1+s31+$0x0] =	vst.idx.add.f32.msk $0xffff, v0  }
0xa6: {  	v1 =	vld [tilespmem:$0x390];
	_ =	sdelay $0x7  }
0xa7: {  	[tilespmem:v1+s31+$0x0] =	vst.idx.add.f32.msk $0xffff, v0  }
0xa8: {  	v1 =	vld [tilespmem:$0x3A0];
	_ =	sdelay $0x7  }
0xa9: {  	[tilespmem:v1+s31+$0x0] =	vst.idx.add.f32.msk $0xffff, v0  }
0xaa: {  	v1 =	vld [tilespmem:$0x3B0];
	_ =	sdelay $0x7  }
0xab: {  	[tilespmem:v1+s31+$0x0] =	vst.idx.add.f32.msk $0xffff, v0  }
0xac: {  	v1 =	vld [tilespmem:$0x3C0];
	_ =	sdelay $0x7  }
0xad: {  	[tilespmem:v1+s31+$0x0] =	vst.idx.add.f32.msk $0xffff, v0  }
0xae: {  	s10 =	sadd.s32 @!p0 $0xFFFFFF80, s20;
	_ =	swait.ge [sflag:s12], $0x2800  }
0xaf: {  	s22 =	simm.s32 @!p0 $0x200;
	s18 =	sand.u32 @!p0 $0x7C00, s10;
	[sflag:s12] =	ssyncset.done $0x0  }
0xb0: {  	s10 =	sand.u32 @!p0 $0x300, s10;
	s21 =	sadd.s32 @!p0 s8, s18;
	[sflag:s12] =	ssyncadd.s32 $0xFFFFD800  }
0xb1: {  	[spmem:s2] =	stream.indirect.scatter.add.f32 [tilespmem:s1], [sflag:$0x7], $0x80, s28, s3, $0xb8;
	[tilespmem:$0x1BC00] =	vst v63  }
0xb2: {  	s18 =	sadd.s32 @!p0 s9, s18;
	s21 =	sor.u32 @!p0 s10, s21;
	_ =	swait.ge [sflag:s30], $0x2800  }
0xb3: {  	s10 =	sor.u32 @!p0 s10, s18;
	s21 =	sshrl.u32 @!p0 s21, $0x3;
	[sflag:s30] =	ssyncset.done $0x0  }
0xb4: {  	s10 =	sshrl.u32 @!p0 s10, $0x3;
	s21 =	sadd.s32 @!p0 s5, s21;
	[sflag:s30] =	ssyncadd.s32 $0xFFFFD800  }
0xb5: {  	[tilespmem:s22], [sflag:$0x5] =	stream.linear.gather @!p0 [hbm4b:s21+s19], $0x80, $0x38;
	[tilespmem:$0x1BC00] =	vst v63  }
0xb6: {  	s18 =	simm.s32 @!p0 $0x280;
	s10 =	sadd.s32 @!p0 s5, s10  }
0xb7: {  	[tilespmem:s18], [sflag:$0x5] =	stream.linear.gather @!p0 [hbm4b:s10+s19], $0x80, $0x38;
	[tilespmem:$0x1BC00] =	vst v63  }
0xb8: {  	_ =	swait.ge [sflag:s0], $0x80  }
0xb9: {  	[sflag:s0] =	ssyncset.done $0x0  }
0xba: {  	[sflag:s0] =	ssyncadd.s32 $0xFFFFFF80  }
0xbb: {  	_ =	swait.ge [sflag:s0], $0x80  }
0xbc: {  	[sflag:s0] =	ssyncset.done $0x0  }
0xbd: {  	[sflag:s0] =	ssyncadd.s32 $0xFFFFFF80  }
0xbe: {  	[tilespmem:s1], [sflag:$0x1] =	stream.indirect.gather [hbm4b:s6+s3], $0x80, s4, s3, $0xb8;
	[tilespmem:$0x1BC00] =	vst v63  }
0xbf: {  	v1 =	vld [tilespmem:$0x80];
	_ =	sdelay $0x7  }
0xc0: {  	[tilespmem:v1+s31+$0x0] =	vst.idx.add.f32.msk $0xffff, v0  }
0xc1: {  	v1 =	vld [tilespmem:$0x90];
	_ =	sdelay $0x7  }
0xc2: {  	[tilespmem:v1+s31+$0x0] =	vst.idx.add.f32.msk $0xffff, v0  }
0xc3: {  	v1 =	vld [tilespmem:$0xA0];
	_ =	sdelay $0x7  }
0xc4: {  	[tilespmem:v1+s31+$0x0] =	vst.idx.add.f32.msk $0xffff, v0  }
0xc5: {  	v1 =	vld [tilespmem:$0xB0];
	_ =	sdelay $0x7  }
0xc6: {  	[tilespmem:v1+s31+$0x0] =	vst.idx.add.f32.msk $0xffff, v0  }
0xc7: {  	v1 =	vld [tilespmem:$0xC0];
	_ =	sdelay $0x7  }
0xc8: {  	[tilespmem:v1+s31+$0x0] =	vst.idx.add.f32.msk $0xffff, v0  }
0xc9: {  	_ =	swait.ge [sflag:s14], $0x2800  }
0xca: {  	[sflag:s14] =	ssyncset.done $0x0  }
.Ltmp2:
0xcb: {  	[sflag:s14] =	ssyncadd.s32 $0xFFFFD800;
	(pc) =	sbr.rel @p0 .LBB2_4-.Ltmp2, $4  }
0xcc: {  	[spmem:s2] =	stream.indirect.scatter.add.f32 [tilespmem:s11], [sflag:$0x7], $0x80, s16, s3, $0xb8;
	[tilespmem:$0x1BC00] =	vst v63  }
0xcd: {  	_ =	swait.ge [sflag:s30], $0x2800  }
0xce: {  	[sflag:s30] =	ssyncset.done $0x0  }
0xcf: {  	[sflag:s30] =	ssyncadd.s32 $0xFFFFD800  }
0xd0: {  	s10 =	sand.u32 $0x7C00, s20  }
0xd1: {  	s19 =	sand.u32 $0x380, s20;
	s18 =	sadd.s32 s8, s10  }
0xd2: {  	s10 =	sadd.s32 s9, s10;
	s18 =	sor.u32 s19, s18  }
.Ltmp3:
0xd3: {  	s10 =	sor.u32 s19, s10;
	s18 =	sshrl.u32 s18, $0x3;
	(pc) =	sbr.rel .LBB2_2-.Ltmp3, $4  }
0xd4: {  	s10 =	sshrl.u32 s10, $0x3;
	s18 =	sadd.s32 s5, s18  }
0xd5: {  	[tilespmem:s29], [sflag:$0x6] =	stream.linear.gather [hbm4b:s18+s4], $0x80, $0x38;
	[tilespmem:$0x1BC00] =	vst v63  }
0xd6: {  	s20 =	sadd.s32 $0x200, s20;
	s10 =	sadd.s32 s5, s10  }
0xd7: {  	[tilespmem:s16], [sflag:$0x6] =	stream.linear.gather [hbm4b:s10+s4], $0x80, $0x38;
	[tilespmem:$0x1BC00] =	vst v63  }
.LBB2_5:
0xd8: {  	_ =	sfence.sel $0x180000  }
0xd9: {  	[bflag:$0x0] =	sbarrier.arrive $0xFFFF  }
0xda: {  	_ =	strace $0x90000047  }
0xdb: {  	s0 =	stileid.u32;
	[bflag:$0x2] =	sbarrier.arrive $0xFFFF  }
0xdc: {  	p0 =	sne.s32 s0, $0x0;
	s0 =	rddreg [dreg:$0x4]  }
0xdd: {  	s0 =	sadd.s32 @!p0 $0x100000, s0  }
0xde: {  	[sflag:s0] =	ssyncadd.tile.s32 @!p0 $0x1;
	_ =	shalt  }
.Lfunc_end2:
_tile_overlayer_lowered:
.L_overlay_start_2:
0xdf: {  	(tag) =	ssettag $0x2  }
0xe0: {  	s0 =	rddreg [dreg:$0x0];
	s2 =	stileid.u32  }
0xe1: {  	s1 =	rddreg [dreg:$0x1];
	p0 =	sne.s32 s2, $0x0  }
0xe2: {  	s3 =	rddreg [dreg:$0x2];
	[bflag:$0x3] =	sbarrier.arrive $0xFFFF;
	s2 =	simm.s32 @!p0 $0x1C07  }
0xe3: {  	[timem:s3], [sflag:s2] =	dma.local @!p0 [hbm:s0], s1  }
0xe4: {  	s0 =	simm.s32 @!p0 $0x7  }
0xe5: {  	_ =	swait.ge @!p0 [sflag:s0], s1  }
0xe6: {  	s1 =	ssub.s32 @!p0 $0x0, s1;
	[sflag:s0] =	ssyncset.done @!p0 $0x0  }
0xe7: {  	[sflag:s0] =	ssyncadd.s32 @!p0 s1  }
0xe8: {  	[bflag:$0x3] =	sbarrier.arrive $0xFFFF  }
0xe9: {  	_ =	shalt  }

</sc_bundles>
